<compile_context>
chip_gen: v7x
topology: tpu7x:2x2x1
jax: 0.10.2.dev20260603
libtpu: 0.0.44.dev20260713+nightly
codegen_flags: <defaults>
</compile_context>

<pallas_src>
import functools

import jax
import jax.numpy as jnp
from jax import lax
from jax.experimental import pallas as pl
from jax.experimental.pallas import tpu as pltpu
from jax.experimental.pallas import tpu_sc as plsc

NF = 10
NV = 500
H = 128
NC = 2
NS = 16
NW = NC * NS
C = 128


def _sc_lookup_sum(n, nch, slots):
    mesh = plsc.VectorSubcoreMesh(core_axis_name="c", subcore_axis_name="s")
    rem_workers = nch - NW * (slots - 1)

    @functools.partial(
        pl.kernel,
        out_type=jax.ShapeDtypeStruct((n, H), jnp.float32),
        mesh=mesh,
        scratch_types=[
            pltpu.VMEM((2, NF, 1, C), jnp.int32),
            pltpu.VMEM((2, C, H), jnp.float32),
            pltpu.VMEM_SHARED((NF * NV, H), jnp.float32),
            pltpu.SemaphoreType.DMA,
            pltpu.SemaphoreType.DMA,
            pltpu.SemaphoreType.DMA,
        ],
    )
    def body(x_hbm, tab_hbm, out_hbm, idx_v, acc_v, sh_tab,
             sem_g, sem_i, sem_o):
        sid = lax.axis_index("s")
        wid = sid * NC + lax.axis_index("c")

        @pl.when(sid == 0)
        def _stage():
            pltpu.sync_copy(tab_hbm, sh_tab)
        plsc.subcore_barrier()

        pltpu.async_copy(x_hbm.at[0, wid], idx_v.at[0], sem_i)

        def chunk_body(j, carry):
            p = lax.rem(j, 2)
            idx = idx_v.at[p]
            acc = acc_v.at[p]
            g = j * NW + wid
            base = jnp.minimum(g * C, n - C)

            pltpu.make_async_copy(x_hbm.at[j, wid], idx, sem_i).wait()

            @pl.when(j + 1 < slots)
            def _prefetch():
                pltpu.async_copy(x_hbm.at[j + 1, wid], idx_v.at[1 - p], sem_i)

            @pl.when(j >= 2)
            def _drain():
                pltpu.make_async_copy(
                    acc, out_hbm.at[pl.ds(0, C)], sem_o).wait()

            @pl.when(g < nch)
            def _work():
                pltpu.async_copy(sh_tab.at[idx.at[0, 0]], acc, sem_g).wait()
                cps = [pltpu.async_copy(sh_tab.at[idx.at[f, 0]], acc, sem_g,
                                        add=True)
                       for f in range(1, NF)]
                for cp in cps:
                    cp.wait()
                pltpu.async_copy(acc, out_hbm.at[pl.ds(base, C)], sem_o)
            return carry

        lax.fori_loop(0, slots, chunk_body, 0)

        pltpu.make_async_copy(acc_v.at[0], out_hbm.at[pl.ds(0, C)],
                              sem_o).wait()

        @pl.when(wid < rem_workers)
        def _last_drain():
            pltpu.make_async_copy(acc_v.at[0], out_hbm.at[pl.ds(0, C)],
                                  sem_o).wait()

    return body


def kernel(x, emb_0, emb_1, emb_2, emb_3, emb_4, emb_5, emb_6, emb_7,
           emb_8, emb_9):
    n = x.shape[0]
    full, rem = divmod(n, C)
    nch = full + (1 if rem else 0)
    slots = -(-nch // NW)
    xi = x.reshape(n, NF)
    if rem:
        xi = jnp.concatenate([xi[:full * C], xi[n - C:]], axis=0)
    if slots * NW > nch:
        xi = jnp.concatenate(
            [xi, jnp.zeros(((slots * NW - nch) * C, NF), jnp.int32)], axis=0)
    xb = xi.reshape(slots, NW, C, NF).transpose(0, 1, 3, 2)
    xb = xb + (jnp.arange(NF, dtype=jnp.int32) * NV).reshape(1, 1, NF, 1)
    xb = xb.reshape(slots, NW, NF, 1, C)

    tab = jnp.concatenate([emb_0, emb_1, emb_2, emb_3, emb_4, emb_5, emb_6,
                           emb_7, emb_8, emb_9], axis=0)

    out = _sc_lookup_sum(n, nch, slots)(xb, tab)
    return out.reshape(n, 1, H)

# --- scband reference (transcript-rebuilt; emitter-appended) ---
"""Pipeline reference for scband-discrete-atom-encoder-22299470201465 (READ-ONLY COPY).

The authoritative reference and input builder live on the scoring server;
editing this copy changes nothing except your own understanding.
"""

import jax, jax.numpy as jnp
import numpy as np

N = 100000
NF = 10
NV = 500
H = 128

def setup_inputs(seed: int = 0) -> dict:
    key = jax.random.key(seed)
    keys = jax.random.split(key, NF + 1)
    inp = {}
    inp['x'] = jax.random.randint(keys[0], (N, 1, NF), 0, NV, dtype=jnp.int32)
    for i in range(NF):
        inp[f'emb_{i}'] = jax.random.normal(keys[i + 1], (NV, H), dtype=jnp.float32)
    return inp

def reference(x, emb_0, emb_1, emb_2, emb_3, emb_4, emb_5, emb_6, emb_7, emb_8, emb_9):
    tables = [emb_0, emb_1, emb_2, emb_3, emb_4, emb_5, emb_6, emb_7, emb_8, emb_9]
    xi = x
    if xi.ndim == 2:
        xi = xi[:, :, None]
    out = 0
    for i in range(xi.shape[2]):
        out = out + jnp.take(tables[i], xi[:, :, i], axis=0)
    return out

if __name__ == "__main__":
    import jax
    _d = setup_inputs()
    print(jax.jit(kernel)(*tuple(_d.values())))

</pallas_src>

<mosaic_0001>
#map = affine_map<(d0, d1) -> (0, 0, 0, 0, 0)>
#map1 = affine_map<(d0, d1) -> (0, 0)>
module attributes {stable_mosaic.version = 14 : i64} {
  func.func @body(%arg0: i32, %arg1: i32, %arg2: memref<25x32x10x1x128xi32, #tpu.memory_space<hbm>>, %arg3: memref<5000x128xf32, #tpu.memory_space<hbm>>, %arg4: memref<100000x128xf32, #tpu.memory_space<hbm>>, %arg5: memref<2x10x1x128xi32, #tpu.memory_space<vmem>>, %arg6: memref<2x128x128xf32, #tpu.memory_space<vmem>>, %arg7: memref<5000x128xf32, #tpu.memory_space<vmem_shared>>, %arg8: memref<!tpu.dma_semaphore, #tpu.memory_space<semaphore_mem>>, %arg9: memref<!tpu.dma_semaphore, #tpu.memory_space<semaphore_mem>>, %arg10: memref<!tpu.dma_semaphore, #tpu.memory_space<semaphore_mem>>) attributes {dimension_semantics = [#tpu.dimension_semantics<core_parallel>, #tpu.dimension_semantics<subcore_parallel>], iteration_bounds = array<i64: 2, 16>, scalar_prefetch = 0 : i64, scratch_operands = 6 : i64, tpu.core_type = #tpu.core_type<sc_vector_subcore>, window_params = [{transform_indices = #map}, {transform_indices = #map1}, {transform_indices = #map1}]} {
    %mul3A = arith.constant 2 : i32
    %mul3A_0 = arith.muli %arg1, %mul3A : i32
    %add3A = arith.addi %mul3A_0, %arg0 : i32
    %eq3A = arith.constant 0 : i32
    %eq3A_1 = arith.cmpi eq, %arg1, %eq3A : i32
    %convert_element_type3A = arith.extui %eq3A_1 : i1 to i32
    %cond3A = arith.constant 0 : i32
    %cond3A_2 = arith.cmpi ne, %convert_element_type3A, %cond3A : i32
    scf.if %cond3A_2 {
      "tpu.region"() ({
        %run_scoped3A = tpu.sem_alloc : memref<!tpu.dma_semaphore, #tpu.memory_space<semaphore_mem>>
        tpu.enqueue_dma source(%arg3 : memref<5000x128xf32, #tpu.memory_space<hbm>>) target(%arg7 : memref<5000x128xf32, #tpu.memory_space<vmem_shared>>) target_semaphore(%run_scoped3A : memref<!tpu.dma_semaphore, #tpu.memory_space<semaphore_mem>>)
        tpu.wait_dma2 semaphore(%run_scoped3A : memref<!tpu.dma_semaphore, #tpu.memory_space<semaphore_mem>>) src(%arg3 : memref<5000x128xf32, #tpu.memory_space<hbm>>) dst(%arg7 : memref<5000x128xf32, #tpu.memory_space<vmem_shared>>)
        tpu.yield
      }) : () -> ()
    } else {
    }
    %barrier3A = arith.constant 0 : index
    tpu.barrier barrier_id(%barrier3A)
    %dma_start3A = arith.constant 0 : i32
    %dma_start3A_3 = arith.constant 0 : i32
    %dma_start3A_4 = arith.constant 0 : i32
    %dma_start3A_5 = arith.constant 0 : i32
    %dma_start3A_6 = arith.constant 0 : i32
    %dma_start3A_7 = tpu.memref_slice %arg5[%dma_start3A_3, %dma_start3A_4, %dma_start3A_5, %dma_start3A_6] : memref<2x10x1x128xi32, #tpu.memory_space<vmem>> -> memref<1x10x1x128xi32, #tpu.memory_space<vmem>>
    %dma_start3A_8 = tpu.memref_squeeze %dma_start3A_7 : memref<1x10x1x128xi32, #tpu.memory_space<vmem>> -> memref<10x1x128xi32, #tpu.memory_space<vmem>>
    %dma_start3A_9 = arith.constant 0 : i32
    %dma_start3A_10 = arith.constant 0 : i32
    %dma_start3A_11 = arith.constant 0 : i32
    %dma_start3A_12 = tpu.memref_slice %arg2[%dma_start3A, %add3A, %dma_start3A_9, %dma_start3A_10, %dma_start3A_11] : memref<25x32x10x1x128xi32, #tpu.memory_space<hbm>> -> memref<1x1x10x1x128xi32, #tpu.memory_space<hbm>>
    %dma_start3A_13 = tpu.memref_squeeze %dma_start3A_12 : memref<1x1x10x1x128xi32, #tpu.memory_space<hbm>> -> memref<10x1x128xi32, #tpu.memory_space<hbm>>
    %dma_start3A_14 = arith.constant 0 : i32
    %dma_start3A_15 = arith.constant 0 : i32
    %dma_start3A_16 = arith.constant 0 : i32
    %dma_start3A_17 = tpu.memref_slice %arg5[%dma_start3A_3, %dma_start3A_14, %dma_start3A_15, %dma_start3A_16] : memref<2x10x1x128xi32, #tpu.memory_space<vmem>> -> memref<1x10x1x128xi32, #tpu.memory_space<vmem>>
    %dma_start3A_18 = tpu.memref_squeeze %dma_start3A_17 : memref<1x10x1x128xi32, #tpu.memory_space<vmem>> -> memref<10x1x128xi32, #tpu.memory_space<vmem>>
    %dma_start3A_19 = arith.constant 0 : i32
    %dma_start3A_20 = arith.constant 0 : i32
    %dma_start3A_21 = arith.constant 0 : i32
    %dma_start3A_22 = tpu.memref_slice %arg2[%dma_start3A, %add3A, %dma_start3A_19, %dma_start3A_20, %dma_start3A_21] : memref<25x32x10x1x128xi32, #tpu.memory_space<hbm>> -> memref<1x1x10x1x128xi32, #tpu.memory_space<hbm>>
    %dma_start3A_23 = tpu.memref_squeeze %dma_start3A_22 : memref<1x1x10x1x128xi32, #tpu.memory_space<hbm>> -> memref<10x1x128xi32, #tpu.memory_space<hbm>>
    tpu.enqueue_dma source(%dma_start3A_23 : memref<10x1x128xi32, #tpu.memory_space<hbm>>) target(%dma_start3A_18 : memref<10x1x128xi32, #tpu.memory_space<vmem>>) target_semaphore(%arg9 : memref<!tpu.dma_semaphore, #tpu.memory_space<semaphore_mem>>)
    %scan3A = arith.constant 0 : i32
    %scan3A_24 = arith.constant 0 : i32
    %scan3A_25 = arith.constant 25 : i32
    %scan3A_26 = arith.addi %scan3A_24, %scan3A_25 : i32
    %scan3A_27 = arith.constant 1 : i32
    scf.for %scan3A_47 = %scan3A_24 to %scan3A_26 step %scan3A_27  : i32 {
      %rem3A = arith.constant 2 : i32
      %rem3A_48 = arith.remsi %scan3A_47, %rem3A : i32
      %mul3A_49 = arith.constant 32 : i32
      %mul3A_50 = arith.muli %scan3A_47, %mul3A_49 : i32
      %add3A_51 = arith.addi %mul3A_50, %add3A : i32
      %mul3A_52 = arith.constant 128 : i32
      %mul3A_53 = arith.muli %add3A_51, %mul3A_52 : i32
      %min3A = arith.constant 99872 : i32
      %min3A_54 = arith.minsi %mul3A_53, %min3A : i32
      %dma_wait3A_55 = arith.constant 0 : i32
      %dma_wait3A_56 = arith.constant 0 : i32
      %dma_wait3A_57 = arith.constant 0 : i32
      %dma_wait3A_58 = tpu.memref_slice %arg5[%rem3A_48, %dma_wait3A_55, %dma_wait3A_56, %dma_wait3A_57] : memref<2x10x1x128xi32, #tpu.memory_space<vmem>> -> memref<1x10x1x128xi32, #tpu.memory_space<vmem>>
      %dma_wait3A_59 = tpu.memref_squeeze %dma_wait3A_58 : memref<1x10x1x128xi32, #tpu.memory_space<vmem>> -> memref<10x1x128xi32, #tpu.memory_space<vmem>>
      %dma_wait3A_60 = arith.constant 0 : i32
      %dma_wait3A_61 = arith.constant 0 : i32
      %dma_wait3A_62 = arith.constant 0 : i32
      %dma_wait3A_63 = tpu.memref_slice %arg2[%scan3A_47, %add3A, %dma_wait3A_60, %dma_wait3A_61, %dma_wait3A_62] : memref<25x32x10x1x128xi32, #tpu.memory_space<hbm>> -> memref<1x1x10x1x128xi32, #tpu.memory_space<hbm>>
      %dma_wait3A_64 = tpu.memref_squeeze %dma_wait3A_63 : memref<1x1x10x1x128xi32, #tpu.memory_space<hbm>> -> memref<10x1x128xi32, #tpu.memory_space<hbm>>
      %dma_wait3A_65 = arith.constant 0 : i32
      %dma_wait3A_66 = arith.constant 0 : i32
      %dma_wait3A_67 = arith.constant 0 : i32
      %dma_wait3A_68 = tpu.memref_slice %arg5[%rem3A_48, %dma_wait3A_65, %dma_wait3A_66, %dma_wait3A_67] : memref<2x10x1x128xi32, #tpu.memory_space<vmem>> -> memref<1x10x1x128xi32, #tpu.memory_space<vmem>>
      %dma_wait3A_69 = tpu.memref_squeeze %dma_wait3A_68 : memref<1x10x1x128xi32, #tpu.memory_space<vmem>> -> memref<10x1x128xi32, #tpu.memory_space<vmem>>
      %dma_wait3A_70 = arith.constant 0 : i32
      %dma_wait3A_71 = arith.constant 0 : i32
      %dma_wait3A_72 = arith.constant 0 : i32
      %dma_wait3A_73 = tpu.memref_slice %arg2[%scan3A_47, %add3A, %dma_wait3A_70, %dma_wait3A_71, %dma_wait3A_72] : memref<25x32x10x1x128xi32, #tpu.memory_space<hbm>> -> memref<1x1x10x1x128xi32, #tpu.memory_space<hbm>>
      %dma_wait3A_74 = tpu.memref_squeeze %dma_wait3A_73 : memref<1x1x10x1x128xi32, #tpu.memory_space<hbm>> -> memref<10x1x128xi32, #tpu.memory_space<hbm>>
      tpu.wait_dma2 semaphore(%arg9 : memref<!tpu.dma_semaphore, #tpu.memory_space<semaphore_mem>>) src(%dma_wait3A_74 : memref<10x1x128xi32, #tpu.memory_space<hbm>>) dst(%dma_wait3A_69 : memref<10x1x128xi32, #tpu.memory_space<vmem>>)
      %add3A_75 = arith.constant 1 : i32
      %add3A_76 = arith.addi %scan3A_47, %add3A_75 : i32
      %lt3A_77 = arith.constant 25 : i32
      %lt3A_78 = arith.cmpi slt, %add3A_76, %lt3A_77 : i32
      %convert_element_type3A_79 = arith.extui %lt3A_78 : i1 to i32
      %cond3A_80 = arith.constant 0 : i32
      %cond3A_81 = arith.cmpi ne, %convert_element_type3A_79, %cond3A_80 : i32
      scf.if %cond3A_81 {
        %add3A_91 = arith.constant 1 : i32
        %add3A_92 = arith.addi %scan3A_47, %add3A_91 : i32
        %sub3A = arith.constant 1 : i32
        %sub3A_93 = arith.subi %sub3A, %rem3A_48 : i32
        %dma_start3A_94 = arith.constant 0 : i32
        %dma_start3A_95 = arith.constant 0 : i32
        %dma_start3A_96 = arith.constant 0 : i32
        %dma_start3A_97 = tpu.memref_slice %arg5[%sub3A_93, %dma_start3A_94, %dma_start3A_95, %dma_start3A_96] : memref<2x10x1x128xi32, #tpu.memory_space<vmem>> -> memref<1x10x1x128xi32, #tpu.memory_space<vmem>>
        %dma_start3A_98 = tpu.memref_squeeze %dma_start3A_97 : memref<1x10x1x128xi32, #tpu.memory_space<vmem>> -> memref<10x1x128xi32, #tpu.memory_space<vmem>>
        %dma_start3A_99 = arith.constant 0 : i32
        %dma_start3A_100 = arith.constant 0 : i32
        %dma_start3A_101 = arith.constant 0 : i32
        %dma_start3A_102 = tpu.memref_slice %arg2[%add3A_92, %add3A, %dma_start3A_99, %dma_start3A_100, %dma_start3A_101] : memref<25x32x10x1x128xi32, #tpu.memory_space<hbm>> -> memref<1x1x10x1x128xi32, #tpu.memory_space<hbm>>
        %dma_start3A_103 = tpu.memref_squeeze %dma_start3A_102 : memref<1x1x10x1x128xi32, #tpu.memory_space<hbm>> -> memref<10x1x128xi32, #tpu.memory_space<hbm>>
        %dma_start3A_104 = arith.constant 0 : i32
        %dma_start3A_105 = arith.constant 0 : i32
        %dma_start3A_106 = arith.constant 0 : i32
        %dma_start3A_107 = tpu.memref_slice %arg5[%sub3A_93, %dma_start3A_104, %dma_start3A_105, %dma_start3A_106] : memref<2x10x1x128xi32, #tpu.memory_space<vmem>> -> memref<1x10x1x128xi32, #tpu.memory_space<vmem>>
        %dma_start3A_108 = tpu.memref_squeeze %dma_start3A_107 : memref<1x10x1x128xi32, #tpu.memory_space<vmem>> -> memref<10x1x128xi32, #tpu.memory_space<vmem>>
        %dma_start3A_109 = arith.constant 0 : i32
        %dma_start3A_110 = arith.constant 0 : i32
        %dma_start3A_111 = arith.constant 0 : i32
        %dma_start3A_112 = tpu.memref_slice %arg2[%add3A_92, %add3A, %dma_start3A_109, %dma_start3A_110, %dma_start3A_111] : memref<25x32x10x1x128xi32, #tpu.memory_space<hbm>> -> memref<1x1x10x1x128xi32, #tpu.memory_space<hbm>>
        %dma_start3A_113 = tpu.memref_squeeze %dma_start3A_112 : memref<1x1x10x1x128xi32, #tpu.memory_space<hbm>> -> memref<10x1x128xi32, #tpu.memory_space<hbm>>
        tpu.enqueue_dma source(%dma_start3A_113 : memref<10x1x128xi32, #tpu.memory_space<hbm>>) target(%dma_start3A_108 : memref<10x1x128xi32, #tpu.memory_space<vmem>>) target_semaphore(%arg9 : memref<!tpu.dma_semaphore, #tpu.memory_space<semaphore_mem>>)
      } else {
      }
      %ge3A = arith.constant 2 : i32
      %ge3A_82 = arith.cmpi sge, %scan3A_47, %ge3A : i32
      %convert_element_type3A_83 = arith.extui %ge3A_82 : i1 to i32
      %cond3A_84 = arith.constant 0 : i32
      %cond3A_85 = arith.cmpi ne, %convert_element_type3A_83, %cond3A_84 : i32
      scf.if %cond3A_85 {
        %dma_wait3A_91 = arith.constant 0 : i32
        %dma_wait3A_92 = arith.constant 0 : i32
        %dma_wait3A_93 = tpu.memref_slice %arg6[%rem3A_48, %dma_wait3A_91, %dma_wait3A_92] : memref<2x128x128xf32, #tpu.memory_space<vmem>> -> memref<1x128x128xf32, #tpu.memory_space<vmem>>
        %dma_wait3A_94 = tpu.memref_squeeze %dma_wait3A_93 : memref<1x128x128xf32, #tpu.memory_space<vmem>> -> memref<128x128xf32, #tpu.memory_space<vmem>>
        %dma_wait3A_95 = arith.constant 0 : i32
        %dma_wait3A_96 = arith.constant 0 : i32
        %dma_wait3A_97 = tpu.memref_slice %arg4[%dma_wait3A_95, %dma_wait3A_96] : memref<100000x128xf32, #tpu.memory_space<hbm>> -> memref<128x128xf32, #tpu.memory_space<hbm>>
        %dma_wait3A_98 = arith.constant 0 : i32
        %dma_wait3A_99 = arith.constant 0 : i32
        %dma_wait3A_100 = tpu.memref_slice %arg4[%dma_wait3A_98, %dma_wait3A_99] : memref<100000x128xf32, #tpu.memory_space<hbm>> -> memref<128x128xf32, #tpu.memory_space<hbm>>
        %dma_wait3A_101 = arith.constant 0 : i32
        %dma_wait3A_102 = arith.constant 0 : i32
        %dma_wait3A_103 = tpu.memref_slice %arg6[%rem3A_48, %dma_wait3A_101, %dma_wait3A_102] : memref<2x128x128xf32, #tpu.memory_space<vmem>> -> memref<1x128x128xf32, #tpu.memory_space<vmem>>
        %dma_wait3A_104 = tpu.memref_squeeze %dma_wait3A_103 : memref<1x128x128xf32, #tpu.memory_space<vmem>> -> memref<128x128xf32, #tpu.memory_space<vmem>>
        tpu.wait_dma2 semaphore(%arg10 : memref<!tpu.dma_semaphore, #tpu.memory_space<semaphore_mem>>) src(%dma_wait3A_104 : memref<128x128xf32, #tpu.memory_space<vmem>>) dst(%dma_wait3A_100 : memref<128x128xf32, #tpu.memory_space<hbm>>)
      } else {
      }
      %lt3A_86 = arith.constant 782 : i32
      %lt3A_87 = arith.cmpi slt, %add3A_51, %lt3A_86 : i32
      %convert_element_type3A_88 = arith.extui %lt3A_87 : i1 to i32
      %cond3A_89 = arith.constant 0 : i32
      %cond3A_90 = arith.cmpi ne, %convert_element_type3A_88, %cond3A_89 : i32
      scf.if %cond3A_90 {
        %dma_start3A_91 = arith.constant 0 : i32
        %dma_start3A_92 = arith.constant 0 : i32
        %dma_start3A_93 = arith.constant 0 : i32
        %dma_start3A_94 = arith.constant 0 : i32
        %dma_start3A_95 = tpu.memref_slice %arg6[%rem3A_48, %dma_start3A_93, %dma_start3A_94] : memref<2x128x128xf32, #tpu.memory_space<vmem>> -> memref<1x128x128xf32, #tpu.memory_space<vmem>>
        %dma_start3A_96 = tpu.memref_squeeze %dma_start3A_95 : memref<1x128x128xf32, #tpu.memory_space<vmem>> -> memref<128x128xf32, #tpu.memory_space<vmem>>
        %dma_start3A_97 = arith.constant 0 : i32
        %dma_start3A_98 = arith.constant 0 : i32
        %dma_start3A_99 = arith.constant 0 : i32
        %dma_start3A_100 = tpu.memref_slice %arg5[%rem3A_48, %dma_start3A_97, %dma_start3A_98, %dma_start3A_99] : memref<2x10x1x128xi32, #tpu.memory_space<vmem>> -> memref<1x10x1x128xi32, #tpu.memory_space<vmem>>
        %dma_start3A_101 = tpu.memref_squeeze %dma_start3A_100 : memref<1x10x1x128xi32, #tpu.memory_space<vmem>> -> memref<10x1x128xi32, #tpu.memory_space<vmem>>
        %dma_start3A_102 = arith.constant 0 : i32
        %dma_start3A_103 = tpu.memref_slice %dma_start3A_101[%dma_start3A_91, %dma_start3A_92, %dma_start3A_102] : memref<10x1x128xi32, #tpu.memory_space<vmem>> -> memref<1x1x128xi32, #tpu.memory_space<vmem>>
        %dma_start3A_104 = tpu.memref_squeeze %dma_start3A_103 : memref<1x1x128xi32, #tpu.memory_space<vmem>> -> memref<128xi32, #tpu.memory_space<vmem>>
        %dma_start3A_105 = arith.constant 0 : i32
        %dma_start3A_106 = arith.constant 0 : i32
        %dma_start3A_107 = tpu.memref_slice %arg7[%dma_start3A_105, %dma_start3A_106] : memref<5000x128xf32, #tpu.memory_space<vmem_shared>> -> memref<5000x128xf32, #tpu.memory_space<vmem_shared>>
        tpu.enqueue_indirect_dma source(%dma_start3A_107 : memref<5000x128xf32, #tpu.memory_space<vmem_shared>>) target(%dma_start3A_96 : memref<128x128xf32, #tpu.memory_space<vmem>>) offsets(%dma_start3A_104 : memref<128xi32, #tpu.memory_space<vmem>>) semaphore(%arg8 : memref<!tpu.dma_semaphore, #tpu.memory_space<semaphore_mem>>)
        %dma_wait3A_108 = arith.constant 0 : i32
        %dma_wait3A_109 = arith.constant 0 : i32
        %dma_wait3A_110 = arith.constant 0 : i32
        %dma_wait3A_111 = arith.constant 0 : i32
        %dma_wait3A_112 = tpu.memref_slice %arg6[%rem3A_48, %dma_wait3A_110, %dma_wait3A_111] : memref<2x128x128xf32, #tpu.memory_space<vmem>> -> memref<1x128x128xf32, #tpu.memory_space<vmem>>
        %dma_wait3A_113 = tpu.memref_squeeze %dma_wait3A_112 : memref<1x128x128xf32, #tpu.memory_space<vmem>> -> memref<128x128xf32, #tpu.memory_space<vmem>>
        %dma_wait3A_114 = arith.constant 0 : i32
        %dma_wait3A_115 = arith.constant 0 : i32
        %dma_wait3A_116 = arith.constant 0 : i32
        %dma_wait3A_117 = tpu.memref_slice %arg5[%rem3A_48, %dma_wait3A_114, %dma_wait3A_115, %dma_wait3A_116] : memref<2x10x1x128xi32, #tpu.memory_space<vmem>> -> memref<1x10x1x128xi32, #tpu.memory_space<vmem>>
        %dma_wait3A_118 = tpu.memref_squeeze %dma_wait3A_117 : memref<1x10x1x128xi32, #tpu.memory_space<vmem>> -> memref<10x1x128xi32, #tpu.memory_space<vmem>>
        %dma_wait3A_119 = arith.constant 0 : i32
        %dma_wait3A_120 = tpu.memref_slice %dma_wait3A_118[%dma_wait3A_108, %dma_wait3A_109, %dma_wait3A_119] : memref<10x1x128xi32, #tpu.memory_space<vmem>> -> memref<1x1x128xi32, #tpu.memory_space<vmem>>
        %dma_wait3A_121 = tpu.memref_squeeze %dma_wait3A_120 : memref<1x1x128xi32, #tpu.memory_space<vmem>> -> memref<128xi32, #tpu.memory_space<vmem>>
        %dma_wait3A_122 = arith.constant 0 : i32
        %dma_wait3A_123 = arith.constant 0 : i32
        %dma_wait3A_124 = tpu.memref_slice %arg7[%dma_wait3A_122, %dma_wait3A_123] : memref<5000x128xf32, #tpu.memory_space<vmem_shared>> -> memref<5000x128xf32, #tpu.memory_space<vmem_shared>>
        tpu.wait_indirect_dma semaphore(%arg8 : memref<!tpu.dma_semaphore, #tpu.memory_space<semaphore_mem>>) src(%dma_wait3A_124 : memref<5000x128xf32, #tpu.memory_space<vmem_shared>>) dst(%dma_wait3A_113 : memref<128x128xf32, #tpu.memory_space<vmem>>)
        %dma_start3A_125 = arith.constant 1 : i32
        %dma_start3A_126 = arith.constant 0 : i32
        %dma_start3A_127 = arith.constant 0 : i32
        %dma_start3A_128 = arith.constant 0 : i32
        %dma_start3A_129 = tpu.memref_slice %arg6[%rem3A_48, %dma_start3A_127, %dma_start3A_128] : memref<2x128x128xf32, #tpu.memory_space<vmem>> -> memref<1x128x128xf32, #tpu.memory_space<vmem>>
        %dma_start3A_130 = tpu.memref_squeeze %dma_start3A_129 : memref<1x128x128xf32, #tpu.memory_space<vmem>> -> memref<128x128xf32, #tpu.memory_space<vmem>>
        %dma_start3A_131 = arith.constant 0 : i32
        %dma_start3A_132 = arith.constant 0 : i32
        %dma_start3A_133 = arith.constant 0 : i32
        %dma_start3A_134 = tpu.memref_slice %arg5[%rem3A_48, %dma_start3A_131, %dma_start3A_132, %dma_start3A_133] : memref<2x10x1x128xi32, #tpu.memory_space<vmem>> -> memref<1x10x1x128xi32, #tpu.memory_space<vmem>>
        %dma_start3A_135 = tpu.memref_squeeze %dma_start3A_134 : memref<1x10x1x128xi32, #tpu.memory_space<vmem>> -> memref<10x1x128xi32, #tpu.memory_space<vmem>>
        %dma_start3A_136 = arith.constant 0 : i32
        %dma_start3A_137 = tpu.memref_slice %dma_start3A_135[%dma_start3A_125, %dma_start3A_126, %dma_start3A_136] : memref<10x1x128xi32, #tpu.memory_space<vmem>> -> memref<1x1x128xi32, #tpu.memory_space<vmem>>
        %dma_start3A_138 = tpu.memref_squeeze %dma_start3A_137 : memref<1x1x128xi32, #tpu.memory_space<vmem>> -> memref<128xi32, #tpu.memory_space<vmem>>
        %dma_start3A_139 = arith.constant 0 : i32
        %dma_start3A_140 = arith.constant 0 : i32
        %dma_start3A_141 = tpu.memref_slice %arg7[%dma_start3A_139, %dma_start3A_140] : memref<5000x128xf32, #tpu.memory_space<vmem_shared>> -> memref<5000x128xf32, #tpu.memory_space<vmem_shared>>
        tpu.enqueue_indirect_dma source(%dma_start3A_141 : memref<5000x128xf32, #tpu.memory_space<vmem_shared>>) target(%dma_start3A_130 : memref<128x128xf32, #tpu.memory_space<vmem>>) offsets(%dma_start3A_138 : memref<128xi32, #tpu.memory_space<vmem>>) semaphore(%arg8 : memref<!tpu.dma_semaphore, #tpu.memory_space<semaphore_mem>>) {add = true}
        %dma_start3A_142 = arith.constant 2 : i32
        %dma_start3A_143 = arith.constant 0 : i32
        %dma_start3A_144 = arith.constant 0 : i32
        %dma_start3A_145 = arith.constant 0 : i32
        %dma_start3A_146 = tpu.memref_slice %arg6[%rem3A_48, %dma_start3A_144, %dma_start3A_145] : memref<2x128x128xf32, #tpu.memory_space<vmem>> -> memref<1x128x128xf32, #tpu.memory_space<vmem>>
        %dma_start3A_147 = tpu.memref_squeeze %dma_start3A_146 : memref<1x128x128xf32, #tpu.memory_space<vmem>> -> memref<128x128xf32, #tpu.memory_space<vmem>>
        %dma_start3A_148 = arith.constant 0 : i32
        %dma_start3A_149 = arith.constant 0 : i32
        %dma_start3A_150 = arith.constant 0 : i32
        %dma_start3A_151 = tpu.memref_slice %arg5[%rem3A_48, %dma_start3A_148, %dma_start3A_149, %dma_start3A_150] : memref<2x10x1x128xi32, #tpu.memory_space<vmem>> -> memref<1x10x1x128xi32, #tpu.memory_space<vmem>>
        %dma_start3A_152 = tpu.memref_squeeze %dma_start3A_151 : memref<1x10x1x128xi32, #tpu.memory_space<vmem>> -> memref<10x1x128xi32, #tpu.memory_space<vmem>>
        %dma_start3A_153 = arith.constant 0 : i32
        %dma_start3A_154 = tpu.memref_slice %dma_start3A_152[%dma_start3A_142, %dma_start3A_143, %dma_start3A_153] : memref<10x1x128xi32, #tpu.memory_space<vmem>> -> memref<1x1x128xi32, #tpu.memory_space<vmem>>
        %dma_start3A_155 = tpu.memref_squeeze %dma_start3A_154 : memref<1x1x128xi32, #tpu.memory_space<vmem>> -> memref<128xi32, #tpu.memory_space<vmem>>
        %dma_start3A_156 = arith.constant 0 : i32
        %dma_start3A_157 = arith.constant 0 : i32
        %dma_start3A_158 = tpu.memref_slice %arg7[%dma_start3A_156, %dma_start3A_157] : memref<5000x128xf32, #tpu.memory_space<vmem_shared>> -> memref<5000x128xf32, #tpu.memory_space<vmem_shared>>
        tpu.enqueue_indirect_dma source(%dma_start3A_158 : memref<5000x128xf32, #tpu.memory_space<vmem_shared>>) target(%dma_start3A_147 : memref<128x128xf32, #tpu.memory_space<vmem>>) offsets(%dma_start3A_155 : memref<128xi32, #tpu.memory_space<vmem>>) semaphore(%arg8 : memref<!tpu.dma_semaphore, #tpu.memory_space<semaphore_mem>>) {add = true}
        %dma_start3A_159 = arith.constant 3 : i32
        %dma_start3A_160 = arith.constant 0 : i32
        %dma_start3A_161 = arith.constant 0 : i32
        %dma_start3A_162 = arith.constant 0 : i32
        %dma_start3A_163 = tpu.memref_slice %arg6[%rem3A_48, %dma_start3A_161, %dma_start3A_162] : memref<2x128x128xf32, #tpu.memory_space<vmem>> -> memref<1x128x128xf32, #tpu.memory_space<vmem>>
        %dma_start3A_164 = tpu.memref_squeeze %dma_start3A_163 : memref<1x128x128xf32, #tpu.memory_space<vmem>> -> memref<128x128xf32, #tpu.memory_space<vmem>>
        %dma_start3A_165 = arith.constant 0 : i32
        %dma_start3A_166 = arith.constant 0 : i32
        %dma_start3A_167 = arith.constant 0 : i32
        %dma_start3A_168 = tpu.memref_slice %arg5[%rem3A_48, %dma_start3A_165, %dma_start3A_166, %dma_start3A_167] : memref<2x10x1x128xi32, #tpu.memory_space<vmem>> -> memref<1x10x1x128xi32, #tpu.memory_space<vmem>>
        %dma_start3A_169 = tpu.memref_squeeze %dma_start3A_168 : memref<1x10x1x128xi32, #tpu.memory_space<vmem>> -> memref<10x1x128xi32, #tpu.memory_space<vmem>>
        %dma_start3A_170 = arith.constant 0 : i32
        %dma_start3A_171 = tpu.memref_slice %dma_start3A_169[%dma_start3A_159, %dma_start3A_160, %dma_start3A_170] : memref<10x1x128xi32, #tpu.memory_space<vmem>> -> memref<1x1x128xi32, #tpu.memory_space<vmem>>
        %dma_start3A_172 = tpu.memref_squeeze %dma_start3A_171 : memref<1x1x128xi32, #tpu.memory_space<vmem>> -> memref<128xi32, #tpu.memory_space<vmem>>
        %dma_start3A_173 = arith.constant 0 : i32
        %dma_start3A_174 = arith.constant 0 : i32
        %dma_start3A_175 = tpu.memref_slice %arg7[%dma_start3A_173, %dma_start3A_174] : memref<5000x128xf32, #tpu.memory_space<vmem_shared>> -> memref<5000x128xf32, #tpu.memory_space<vmem_shared>>
        tpu.enqueue_indirect_dma source(%dma_start3A_175 : memref<5000x128xf32, #tpu.memory_space<vmem_shared>>) target(%dma_start3A_164 : memref<128x128xf32, #tpu.memory_space<vmem>>) offsets(%dma_start3A_172 : memref<128xi32, #tpu.memory_space<vmem>>) semaphore(%arg8 : memref<!tpu.dma_semaphore, #tpu.memory_space<semaphore_mem>>) {add = true}
        %dma_start3A_176 = arith.constant 4 : i32
        %dma_start3A_177 = arith.constant 0 : i32
        %dma_start3A_178 = arith.constant 0 : i32
        %dma_start3A_179 = arith.constant 0 : i32
        %dma_start3A_180 = tpu.memref_slice %arg6[%rem3A_48, %dma_start3A_178, %dma_start3A_179] : memref<2x128x128xf32, #tpu.memory_space<vmem>> -> memref<1x128x128xf32, #tpu.memory_space<vmem>>
        %dma_start3A_181 = tpu.memref_squeeze %dma_start3A_180 : memref<1x128x128xf32, #tpu.memory_space<vmem>> -> memref<128x128xf32, #tpu.memory_space<vmem>>
        %dma_start3A_182 = arith.constant 0 : i32
        %dma_start3A_183 = arith.constant 0 : i32
        %dma_start3A_184 = arith.constant 0 : i32
        %dma_start3A_185 = tpu.memref_slice %arg5[%rem3A_48, %dma_start3A_182, %dma_start3A_183, %dma_start3A_184] : memref<2x10x1x128xi32, #tpu.memory_space<vmem>> -> memref<1x10x1x128xi32, #tpu.memory_space<vmem>>
        %dma_start3A_186 = tpu.memref_squeeze %dma_start3A_185 : memref<1x10x1x128xi32, #tpu.memory_space<vmem>> -> memref<10x1x128xi32, #tpu.memory_space<vmem>>
        %dma_start3A_187 = arith.constant 0 : i32
        %dma_start3A_188 = tpu.memref_slice %dma_start3A_186[%dma_start3A_176, %dma_start3A_177, %dma_start3A_187] : memref<10x1x128xi32, #tpu.memory_space<vmem>> -> memref<1x1x128xi32, #tpu.memory_space<vmem>>
        %dma_start3A_189 = tpu.memref_squeeze %dma_start3A_188 : memref<1x1x128xi32, #tpu.memory_space<vmem>> -> memref<128xi32, #tpu.memory_space<vmem>>
        %dma_start3A_190 = arith.constant 0 : i32
        %dma_start3A_191 = arith.constant 0 : i32
        %dma_start3A_192 = tpu.memref_slice %arg7[%dma_start3A_190, %dma_start3A_191] : memref<5000x128xf32, #tpu.memory_space<vmem_shared>> -> memref<5000x128xf32, #tpu.memory_space<vmem_shared>>
        tpu.enqueue_indirect_dma source(%dma_start3A_192 : memref<5000x128xf32, #tpu.memory_space<vmem_shared>>) target(%dma_start3A_181 : memref<128x128xf32, #tpu.memory_space<vmem>>) offsets(%dma_start3A_189 : memref<128xi32, #tpu.memory_space<vmem>>) semaphore(%arg8 : memref<!tpu.dma_semaphore, #tpu.memory_space<semaphore_mem>>) {add = true}
        %dma_start3A_193 = arith.constant 5 : i32
        %dma_start3A_194 = arith.constant 0 : i32
        %dma_start3A_195 = arith.constant 0 : i32
        %dma_start3A_196 = arith.constant 0 : i32
        %dma_start3A_197 = tpu.memref_slice %arg6[%rem3A_48, %dma_start3A_195, %dma_start3A_196] : memref<2x128x128xf32, #tpu.memory_space<vmem>> -> memref<1x128x128xf32, #tpu.memory_space<vmem>>
        %dma_start3A_198 = tpu.memref_squeeze %dma_start3A_197 : memref<1x128x128xf32, #tpu.memory_space<vmem>> -> memref<128x128xf32, #tpu.memory_space<vmem>>
        %dma_start3A_199 = arith.constant 0 : i32
        %dma_start3A_200 = arith.constant 0 : i32
        %dma_start3A_201 = arith.constant 0 : i32
        %dma_start3A_202 = tpu.memref_slice %arg5[%rem3A_48, %dma_start3A_199, %dma_start3A_200, %dma_start3A_201] : memref<2x10x1x128xi32, #tpu.memory_space<vmem>> -> memref<1x10x1x128xi32, #tpu.memory_space<vmem>>
        %dma_start3A_203 = tpu.memref_squeeze %dma_start3A_202 : memref<1x10x1x128xi32, #tpu.memory_space<vmem>> -> memref<10x1x128xi32, #tpu.memory_space<vmem>>
        %dma_start3A_204 = arith.constant 0 : i32
        %dma_start3A_205 = tpu.memref_slice %dma_start3A_203[%dma_start3A_193, %dma_start3A_194, %dma_start3A_204] : memref<10x1x128xi32, #tpu.memory_space<vmem>> -> memref<1x1x128xi32, #tpu.memory_space<vmem>>
        %dma_start3A_206 = tpu.memref_squeeze %dma_start3A_205 : memref<1x1x128xi32, #tpu.memory_space<vmem>> -> memref<128xi32, #tpu.memory_space<vmem>>
        %dma_start3A_207 = arith.constant 0 : i32
        %dma_start3A_208 = arith.constant 0 : i32
        %dma_start3A_209 = tpu.memref_slice %arg7[%dma_start3A_207, %dma_start3A_208] : memref<5000x128xf32, #tpu.memory_space<vmem_shared>> -> memref<5000x128xf32, #tpu.memory_space<vmem_shared>>
        tpu.enqueue_indirect_dma source(%dma_start3A_209 : memref<5000x128xf32, #tpu.memory_space<vmem_shared>>) target(%dma_start3A_198 : memref<128x128xf32, #tpu.memory_space<vmem>>) offsets(%dma_start3A_206 : memref<128xi32, #tpu.memory_space<vmem>>) semaphore(%arg8 : memref<!tpu.dma_semaphore, #tpu.memory_space<semaphore_mem>>) {add = true}
        %dma_start3A_210 = arith.constant 6 : i32
        %dma_start3A_211 = arith.constant 0 : i32
        %dma_start3A_212 = arith.constant 0 : i32
        %dma_start3A_213 = arith.constant 0 : i32
        %dma_start3A_214 = tpu.memref_slice %arg6[%rem3A_48, %dma_start3A_212, %dma_start3A_213] : memref<2x128x128xf32, #tpu.memory_space<vmem>> -> memref<1x128x128xf32, #tpu.memory_space<vmem>>
        %dma_start3A_215 = tpu.memref_squeeze %dma_start3A_214 : memref<1x128x128xf32, #tpu.memory_space<vmem>> -> memref<128x128xf32, #tpu.memory_space<vmem>>
        %dma_start3A_216 = arith.constant 0 : i32
        %dma_start3A_217 = arith.constant 0 : i32
        %dma_start3A_218 = arith.constant 0 : i32
        %dma_start3A_219 = tpu.memref_slice %arg5[%rem3A_48, %dma_start3A_216, %dma_start3A_217, %dma_start3A_218] : memref<2x10x1x128xi32, #tpu.memory_space<vmem>> -> memref<1x10x1x128xi32, #tpu.memory_space<vmem>>
        %dma_start3A_220 = tpu.memref_squeeze %dma_start3A_219 : memref<1x10x1x128xi32, #tpu.memory_space<vmem>> -> memref<10x1x128xi32, #tpu.memory_space<vmem>>
        %dma_start3A_221 = arith.constant 0 : i32
        %dma_start3A_222 = tpu.memref_slice %dma_start3A_220[%dma_start3A_210, %dma_start3A_211, %dma_start3A_221] : memref<10x1x128xi32, #tpu.memory_space<vmem>> -> memref<1x1x128xi32, #tpu.memory_space<vmem>>
        %dma_start3A_223 = tpu.memref_squeeze %dma_start3A_222 : memref<1x1x128xi32, #tpu.memory_space<vmem>> -> memref<128xi32, #tpu.memory_space<vmem>>
        %dma_start3A_224 = arith.constant 0 : i32
        %dma_start3A_225 = arith.constant 0 : i32
        %dma_start3A_226 = tpu.memref_slice %arg7[%dma_start3A_224, %dma_start3A_225] : memref<5000x128xf32, #tpu.memory_space<vmem_shared>> -> memref<5000x128xf32, #tpu.memory_space<vmem_shared>>
        tpu.enqueue_indirect_dma source(%dma_start3A_226 : memref<5000x128xf32, #tpu.memory_space<vmem_shared>>) target(%dma_start3A_215 : memref<128x128xf32, #tpu.memory_space<vmem>>) offsets(%dma_start3A_223 : memref<128xi32, #tpu.memory_space<vmem>>) semaphore(%arg8 : memref<!tpu.dma_semaphore, #tpu.memory_space<semaphore_mem>>) {add = true}
        %dma_start3A_227 = arith.constant 7 : i32
        %dma_start3A_228 = arith.constant 0 : i32
        %dma_start3A_229 = arith.constant 0 : i32
        %dma_start3A_230 = arith.constant 0 : i32
        %dma_start3A_231 = tpu.memref_slice %arg6[%rem3A_48, %dma_start3A_229, %dma_start3A_230] : memref<2x128x128xf32, #tpu.memory_space<vmem>> -> memref<1x128x128xf32, #tpu.memory_space<vmem>>
        %dma_start3A_232 = tpu.memref_squeeze %dma_start3A_231 : memref<1x128x128xf32, #tpu.memory_space<vmem>> -> memref<128x128xf32, #tpu.memory_space<vmem>>
        %dma_start3A_233 = arith.constant 0 : i32
        %dma_start3A_234 = arith.constant 0 : i32
        %dma_start3A_235 = arith.constant 0 : i32
        %dma_start3A_236 = tpu.memref_slice %arg5[%rem3A_48, %dma_start3A_233, %dma_start3A_234, %dma_start3A_235] : memref<2x10x1x128xi32, #tpu.memory_space<vmem>> -> memref<1x10x1x128xi32, #tpu.memory_space<vmem>>
        %dma_start3A_237 = tpu.memref_squeeze %dma_start3A_236 : memref<1x10x1x128xi32, #tpu.memory_space<vmem>> -> memref<10x1x128xi32, #tpu.memory_space<vmem>>
        %dma_start3A_238 = arith.constant 0 : i32
        %dma_start3A_239 = tpu.memref_slice %dma_start3A_237[%dma_start3A_227, %dma_start3A_228, %dma_start3A_238] : memref<10x1x128xi32, #tpu.memory_space<vmem>> -> memref<1x1x128xi32, #tpu.memory_space<vmem>>
        %dma_start3A_240 = tpu.memref_squeeze %dma_start3A_239 : memref<1x1x128xi32, #tpu.memory_space<vmem>> -> memref<128xi32, #tpu.memory_space<vmem>>
        %dma_start3A_241 = arith.constant 0 : i32
        %dma_start3A_242 = arith.constant 0 : i32
        %dma_start3A_243 = tpu.memref_slice %arg7[%dma_start3A_241, %dma_start3A_242] : memref<5000x128xf32, #tpu.memory_space<vmem_shared>> -> memref<5000x128xf32, #tpu.memory_space<vmem_shared>>
        tpu.enqueue_indirect_dma source(%dma_start3A_243 : memref<5000x128xf32, #tpu.memory_space<vmem_shared>>) target(%dma_start3A_232 : memref<128x128xf32, #tpu.memory_space<vmem>>) offsets(%dma_start3A_240 : memref<128xi32, #tpu.memory_space<vmem>>) semaphore(%arg8 : memref<!tpu.dma_semaphore, #tpu.memory_space<semaphore_mem>>) {add = true}
        %dma_start3A_244 = arith.constant 8 : i32
        %dma_start3A_245 = arith.constant 0 : i32
        %dma_start3A_246 = arith.constant 0 : i32
        %dma_start3A_247 = arith.constant 0 : i32
        %dma_start3A_248 = tpu.memref_slice %arg6[%rem3A_48, %dma_start3A_246, %dma_start3A_247] : memref<2x128x128xf32, #tpu.memory_space<vmem>> -> memref<1x128x128xf32, #tpu.memory_space<vmem>>
        %dma_start3A_249 = tpu.memref_squeeze %dma_start3A_248 : memref<1x128x128xf32, #tpu.memory_space<vmem>> -> memref<128x128xf32, #tpu.memory_space<vmem>>
        %dma_start3A_250 = arith.constant 0 : i32
        %dma_start3A_251 = arith.constant 0 : i32
        %dma_start3A_252 = arith.constant 0 : i32
        %dma_start3A_253 = tpu.memref_slice %arg5[%rem3A_48, %dma_start3A_250, %dma_start3A_251, %dma_start3A_252] : memref<2x10x1x128xi32, #tpu.memory_space<vmem>> -> memref<1x10x1x128xi32, #tpu.memory_space<vmem>>
        %dma_start3A_254 = tpu.memref_squeeze %dma_start3A_253 : memref<1x10x1x128xi32, #tpu.memory_space<vmem>> -> memref<10x1x128xi32, #tpu.memory_space<vmem>>
        %dma_start3A_255 = arith.constant 0 : i32
        %dma_start3A_256 = tpu.memref_slice %dma_start3A_254[%dma_start3A_244, %dma_start3A_245, %dma_start3A_255] : memref<10x1x128xi32, #tpu.memory_space<vmem>> -> memref<1x1x128xi32, #tpu.memory_space<vmem>>
        %dma_start3A_257 = tpu.memref_squeeze %dma_start3A_256 : memref<1x1x128xi32, #tpu.memory_space<vmem>> -> memref<128xi32, #tpu.memory_space<vmem>>
        %dma_start3A_258 = arith.constant 0 : i32
        %dma_start3A_259 = arith.constant 0 : i32
        %dma_start3A_260 = tpu.memref_slice %arg7[%dma_start3A_258, %dma_start3A_259] : memref<5000x128xf32, #tpu.memory_space<vmem_shared>> -> memref<5000x128xf32, #tpu.memory_space<vmem_shared>>
        tpu.enqueue_indirect_dma source(%dma_start3A_260 : memref<5000x128xf32, #tpu.memory_space<vmem_shared>>) target(%dma_start3A_249 : memref<128x128xf32, #tpu.memory_space<vmem>>) offsets(%dma_start3A_257 : memref<128xi32, #tpu.memory_space<vmem>>) semaphore(%arg8 : memref<!tpu.dma_semaphore, #tpu.memory_space<semaphore_mem>>) {add = true}
        %dma_start3A_261 = arith.constant 9 : i32
        %dma_start3A_262 = arith.constant 0 : i32
        %dma_start3A_263 = arith.constant 0 : i32
        %dma_start3A_264 = arith.constant 0 : i32
        %dma_start3A_265 = tpu.memref_slice %arg6[%rem3A_48, %dma_start3A_263, %dma_start3A_264] : memref<2x128x128xf32, #tpu.memory_space<vmem>> -> memref<1x128x128xf32, #tpu.memory_space<vmem>>
        %dma_start3A_266 = tpu.memref_squeeze %dma_start3A_265 : memref<1x128x128xf32, #tpu.memory_space<vmem>> -> memref<128x128xf32, #tpu.memory_space<vmem>>
        %dma_start3A_267 = arith.constant 0 : i32
        %dma_start3A_268 = arith.constant 0 : i32
        %dma_start3A_269 = arith.constant 0 : i32
        %dma_start3A_270 = tpu.memref_slice %arg5[%rem3A_48, %dma_start3A_267, %dma_start3A_268, %dma_start3A_269] : memref<2x10x1x128xi32, #tpu.memory_space<vmem>> -> memref<1x10x1x128xi32, #tpu.memory_space<vmem>>
        %dma_start3A_271 = tpu.memref_squeeze %dma_start3A_270 : memref<1x10x1x128xi32, #tpu.memory_space<vmem>> -> memref<10x1x128xi32, #tpu.memory_space<vmem>>
        %dma_start3A_272 = arith.constant 0 : i32
        %dma_start3A_273 = tpu.memref_slice %dma_start3A_271[%dma_start3A_261, %dma_start3A_262, %dma_start3A_272] : memref<10x1x128xi32, #tpu.memory_space<vmem>> -> memref<1x1x128xi32, #tpu.memory_space<vmem>>
        %dma_start3A_274 = tpu.memref_squeeze %dma_start3A_273 : memref<1x1x128xi32, #tpu.memory_space<vmem>> -> memref<128xi32, #tpu.memory_space<vmem>>
        %dma_start3A_275 = arith.constant 0 : i32
        %dma_start3A_276 = arith.constant 0 : i32
        %dma_start3A_277 = tpu.memref_slice %arg7[%dma_start3A_275, %dma_start3A_276] : memref<5000x128xf32, #tpu.memory_space<vmem_shared>> -> memref<5000x128xf32, #tpu.memory_space<vmem_shared>>
        tpu.enqueue_indirect_dma source(%dma_start3A_277 : memref<5000x128xf32, #tpu.memory_space<vmem_shared>>) target(%dma_start3A_266 : memref<128x128xf32, #tpu.memory_space<vmem>>) offsets(%dma_start3A_274 : memref<128xi32, #tpu.memory_space<vmem>>) semaphore(%arg8 : memref<!tpu.dma_semaphore, #tpu.memory_space<semaphore_mem>>) {add = true}
        %dma_wait3A_278 = arith.constant 1 : i32
        %dma_wait3A_279 = arith.constant 0 : i32
        %dma_wait3A_280 = arith.constant 0 : i32
        %dma_wait3A_281 = arith.constant 0 : i32
        %dma_wait3A_282 = tpu.memref_slice %arg6[%rem3A_48, %dma_wait3A_280, %dma_wait3A_281] : memref<2x128x128xf32, #tpu.memory_space<vmem>> -> memref<1x128x128xf32, #tpu.memory_space<vmem>>
        %dma_wait3A_283 = tpu.memref_squeeze %dma_wait3A_282 : memref<1x128x128xf32, #tpu.memory_space<vmem>> -> memref<128x128xf32, #tpu.memory_space<vmem>>
        %dma_wait3A_284 = arith.constant 0 : i32
        %dma_wait3A_285 = arith.constant 0 : i32
        %dma_wait3A_286 = arith.constant 0 : i32
        %dma_wait3A_287 = tpu.memref_slice %arg5[%rem3A_48, %dma_wait3A_284, %dma_wait3A_285, %dma_wait3A_286] : memref<2x10x1x128xi32, #tpu.memory_space<vmem>> -> memref<1x10x1x128xi32, #tpu.memory_space<vmem>>
        %dma_wait3A_288 = tpu.memref_squeeze %dma_wait3A_287 : memref<1x10x1x128xi32, #tpu.memory_space<vmem>> -> memref<10x1x128xi32, #tpu.memory_space<vmem>>
        %dma_wait3A_289 = arith.constant 0 : i32
        %dma_wait3A_290 = tpu.memref_slice %dma_wait3A_288[%dma_wait3A_278, %dma_wait3A_279, %dma_wait3A_289] : memref<10x1x128xi32, #tpu.memory_space<vmem>> -> memref<1x1x128xi32, #tpu.memory_space<vmem>>
        %dma_wait3A_291 = tpu.memref_squeeze %dma_wait3A_290 : memref<1x1x128xi32, #tpu.memory_space<vmem>> -> memref<128xi32, #tpu.memory_space<vmem>>
        %dma_wait3A_292 = arith.constant 0 : i32
        %dma_wait3A_293 = arith.constant 0 : i32
        %dma_wait3A_294 = tpu.memref_slice %arg7[%dma_wait3A_292, %dma_wait3A_293] : memref<5000x128xf32, #tpu.memory_space<vmem_shared>> -> memref<5000x128xf32, #tpu.memory_space<vmem_shared>>
        tpu.wait_indirect_dma semaphore(%arg8 : memref<!tpu.dma_semaphore, #tpu.memory_space<semaphore_mem>>) src(%dma_wait3A_294 : memref<5000x128xf32, #tpu.memory_space<vmem_shared>>) dst(%dma_wait3A_283 : memref<128x128xf32, #tpu.memory_space<vmem>>)
        %dma_wait3A_295 = arith.constant 2 : i32
        %dma_wait3A_296 = arith.constant 0 : i32
        %dma_wait3A_297 = arith.constant 0 : i32
        %dma_wait3A_298 = arith.constant 0 : i32
        %dma_wait3A_299 = tpu.memref_slice %arg6[%rem3A_48, %dma_wait3A_297, %dma_wait3A_298] : memref<2x128x128xf32, #tpu.memory_space<vmem>> -> memref<1x128x128xf32, #tpu.memory_space<vmem>>
        %dma_wait3A_300 = tpu.memref_squeeze %dma_wait3A_299 : memref<1x128x128xf32, #tpu.memory_space<vmem>> -> memref<128x128xf32, #tpu.memory_space<vmem>>
        %dma_wait3A_301 = arith.constant 0 : i32
        %dma_wait3A_302 = arith.constant 0 : i32
        %dma_wait3A_303 = arith.constant 0 : i32
        %dma_wait3A_304 = tpu.memref_slice %arg5[%rem3A_48, %dma_wait3A_301, %dma_wait3A_302, %dma_wait3A_303] : memref<2x10x1x128xi32, #tpu.memory_space<vmem>> -> memref<1x10x1x128xi32, #tpu.memory_space<vmem>>
        %dma_wait3A_305 = tpu.memref_squeeze %dma_wait3A_304 : memref<1x10x1x128xi32, #tpu.memory_space<vmem>> -> memref<10x1x128xi32, #tpu.memory_space<vmem>>
        %dma_wait3A_306 = arith.constant 0 : i32
        %dma_wait3A_307 = tpu.memref_slice %dma_wait3A_305[%dma_wait3A_295, %dma_wait3A_296, %dma_wait3A_306] : memref<10x1x128xi32, #tpu.memory_space<vmem>> -> memref<1x1x128xi32, #tpu.memory_space<vmem>>
        %dma_wait3A_308 = tpu.memref_squeeze %dma_wait3A_307 : memref<1x1x128xi32, #tpu.memory_space<vmem>> -> memref<128xi32, #tpu.memory_space<vmem>>
        %dma_wait3A_309 = arith.constant 0 : i32
        %dma_wait3A_310 = arith.constant 0 : i32
        %dma_wait3A_311 = tpu.memref_slice %arg7[%dma_wait3A_309, %dma_wait3A_310] : memref<5000x128xf32, #tpu.memory_space<vmem_shared>> -> memref<5000x128xf32, #tpu.memory_space<vmem_shared>>
        tpu.wait_indirect_dma semaphore(%arg8 : memref<!tpu.dma_semaphore, #tpu.memory_space<semaphore_mem>>) src(%dma_wait3A_311 : memref<5000x128xf32, #tpu.memory_space<vmem_shared>>) dst(%dma_wait3A_300 : memref<128x128xf32, #tpu.memory_space<vmem>>)
        %dma_wait3A_312 = arith.constant 3 : i32
        %dma_wait3A_313 = arith.constant 0 : i32
        %dma_wait3A_314 = arith.constant 0 : i32
        %dma_wait3A_315 = arith.constant 0 : i32
        %dma_wait3A_316 = tpu.memref_slice %arg6[%rem3A_48, %dma_wait3A_314, %dma_wait3A_315] : memref<2x128x128xf32, #tpu.memory_space<vmem>> -> memref<1x128x128xf32, #tpu.memory_space<vmem>>
        %dma_wait3A_317 = tpu.memref_squeeze %dma_wait3A_316 : memref<1x128x128xf32, #tpu.memory_space<vmem>> -> memref<128x128xf32, #tpu.memory_space<vmem>>
        %dma_wait3A_318 = arith.constant 0 : i32
        %dma_wait3A_319 = arith.constant 0 : i32
        %dma_wait3A_320 = arith.constant 0 : i32
        %dma_wait3A_321 = tpu.memref_slice %arg5[%rem3A_48, %dma_wait3A_318, %dma_wait3A_319, %dma_wait3A_320] : memref<2x10x1x128xi32, #tpu.memory_space<vmem>> -> memref<1x10x1x128xi32, #tpu.memory_space<vmem>>
        %dma_wait3A_322 = tpu.memref_squeeze %dma_wait3A_321 : memref<1x10x1x128xi32, #tpu.memory_space<vmem>> -> memref<10x1x128xi32, #tpu.memory_space<vmem>>
        %dma_wait3A_323 = arith.constant 0 : i32
        %dma_wait3A_324 = tpu.memref_slice %dma_wait3A_322[%dma_wait3A_312, %dma_wait3A_313, %dma_wait3A_323] : memref<10x1x128xi32, #tpu.memory_space<vmem>> -> memref<1x1x128xi32, #tpu.memory_space<vmem>>
        %dma_wait3A_325 = tpu.memref_squeeze %dma_wait3A_324 : memref<1x1x128xi32, #tpu.memory_space<vmem>> -> memref<128xi32, #tpu.memory_space<vmem>>
        %dma_wait3A_326 = arith.constant 0 : i32
        %dma_wait3A_327 = arith.constant 0 : i32
        %dma_wait3A_328 = tpu.memref_slice %arg7[%dma_wait3A_326, %dma_wait3A_327] : memref<5000x128xf32, #tpu.memory_space<vmem_shared>> -> memref<5000x128xf32, #tpu.memory_space<vmem_shared>>
        tpu.wait_indirect_dma semaphore(%arg8 : memref<!tpu.dma_semaphore, #tpu.memory_space<semaphore_mem>>) src(%dma_wait3A_328 : memref<5000x128xf32, #tpu.memory_space<vmem_shared>>) dst(%dma_wait3A_317 : memref<128x128xf32, #tpu.memory_space<vmem>>)
        %dma_wait3A_329 = arith.constant 4 : i32
        %dma_wait3A_330 = arith.constant 0 : i32
        %dma_wait3A_331 = arith.constant 0 : i32
        %dma_wait3A_332 = arith.constant 0 : i32
        %dma_wait3A_333 = tpu.memref_slice %arg6[%rem3A_48, %dma_wait3A_331, %dma_wait3A_332] : memref<2x128x128xf32, #tpu.memory_space<vmem>> -> memref<1x128x128xf32, #tpu.memory_space<vmem>>
        %dma_wait3A_334 = tpu.memref_squeeze %dma_wait3A_333 : memref<1x128x128xf32, #tpu.memory_space<vmem>> -> memref<128x128xf32, #tpu.memory_space<vmem>>
        %dma_wait3A_335 = arith.constant 0 : i32
        %dma_wait3A_336 = arith.constant 0 : i32
        %dma_wait3A_337 = arith.constant 0 : i32
        %dma_wait3A_338 = tpu.memref_slice %arg5[%rem3A_48, %dma_wait3A_335, %dma_wait3A_336, %dma_wait3A_337] : memref<2x10x1x128xi32, #tpu.memory_space<vmem>> -> memref<1x10x1x128xi32, #tpu.memory_space<vmem>>
        %dma_wait3A_339 = tpu.memref_squeeze %dma_wait3A_338 : memref<1x10x1x128xi32, #tpu.memory_space<vmem>> -> memref<10x1x128xi32, #tpu.memory_space<vmem>>
        %dma_wait3A_340 = arith.constant 0 : i32
        %dma_wait3A_341 = tpu.memref_slice %dma_wait3A_339[%dma_wait3A_329, %dma_wait3A_330, %dma_wait3A_340] : memref<10x1x128xi32, #tpu.memory_space<vmem>> -> memref<1x1x128xi32, #tpu.memory_space<vmem>>
        %dma_wait3A_342 = tpu.memref_squeeze %dma_wait3A_341 : memref<1x1x128xi32, #tpu.memory_space<vmem>> -> memref<128xi32, #tpu.memory_space<vmem>>
        %dma_wait3A_343 = arith.constant 0 : i32
        %dma_wait3A_344 = arith.constant 0 : i32
        %dma_wait3A_345 = tpu.memref_slice %arg7[%dma_wait3A_343, %dma_wait3A_344] : memref<5000x128xf32, #tpu.memory_space<vmem_shared>> -> memref<5000x128xf32, #tpu.memory_space<vmem_shared>>
        tpu.wait_indirect_dma semaphore(%arg8 : memref<!tpu.dma_semaphore, #tpu.memory_space<semaphore_mem>>) src(%dma_wait3A_345 : memref<5000x128xf32, #tpu.memory_space<vmem_shared>>) dst(%dma_wait3A_334 : memref<128x128xf32, #tpu.memory_space<vmem>>)
        %dma_wait3A_346 = arith.constant 5 : i32
        %dma_wait3A_347 = arith.constant 0 : i32
        %dma_wait3A_348 = arith.constant 0 : i32
        %dma_wait3A_349 = arith.constant 0 : i32
        %dma_wait3A_350 = tpu.memref_slice %arg6[%rem3A_48, %dma_wait3A_348, %dma_wait3A_349] : memref<2x128x128xf32, #tpu.memory_space<vmem>> -> memref<1x128x128xf32, #tpu.memory_space<vmem>>
        %dma_wait3A_351 = tpu.memref_squeeze %dma_wait3A_350 : memref<1x128x128xf32, #tpu.memory_space<vmem>> -> memref<128x128xf32, #tpu.memory_space<vmem>>
        %dma_wait3A_352 = arith.constant 0 : i32
        %dma_wait3A_353 = arith.constant 0 : i32
        %dma_wait3A_354 = arith.constant 0 : i32
        %dma_wait3A_355 = tpu.memref_slice %arg5[%rem3A_48, %dma_wait3A_352, %dma_wait3A_353, %dma_wait3A_354] : memref<2x10x1x128xi32, #tpu.memory_space<vmem>> -> memref<1x10x1x128xi32, #tpu.memory_space<vmem>>
        %dma_wait3A_356 = tpu.memref_squeeze %dma_wait3A_355 : memref<1x10x1x128xi32, #tpu.memory_space<vmem>> -> memref<10x1x128xi32, #tpu.memory_space<vmem>>
        %dma_wait3A_357 = arith.constant 0 : i32
        %dma_wait3A_358 = tpu.memref_slice %dma_wait3A_356[%dma_wait3A_346, %dma_wait3A_347, %dma_wait3A_357] : memref<10x1x128xi32, #tpu.memory_space<vmem>> -> memref<1x1x128xi32, #tpu.memory_space<vmem>>
        %dma_wait3A_359 = tpu.memref_squeeze %dma_wait3A_358 : memref<1x1x128xi32, #tpu.memory_space<vmem>> -> memref<128xi32, #tpu.memory_space<vmem>>
        %dma_wait3A_360 = arith.constant 0 : i32
        %dma_wait3A_361 = arith.constant 0 : i32
        %dma_wait3A_362 = tpu.memref_slice %arg7[%dma_wait3A_360, %dma_wait3A_361] : memref<5000x128xf32, #tpu.memory_space<vmem_shared>> -> memref<5000x128xf32, #tpu.memory_space<vmem_shared>>
        tpu.wait_indirect_dma semaphore(%arg8 : memref<!tpu.dma_semaphore, #tpu.memory_space<semaphore_mem>>) src(%dma_wait3A_362 : memref<5000x128xf32, #tpu.memory_space<vmem_shared>>) dst(%dma_wait3A_351 : memref<128x128xf32, #tpu.memory_space<vmem>>)
        %dma_wait3A_363 = arith.constant 6 : i32
        %dma_wait3A_364 = arith.constant 0 : i32
        %dma_wait3A_365 = arith.constant 0 : i32
        %dma_wait3A_366 = arith.constant 0 : i32
        %dma_wait3A_367 = tpu.memref_slice %arg6[%rem3A_48, %dma_wait3A_365, %dma_wait3A_366] : memref<2x128x128xf32, #tpu.memory_space<vmem>> -> memref<1x128x128xf32, #tpu.memory_space<vmem>>
        %dma_wait3A_368 = tpu.memref_squeeze %dma_wait3A_367 : memref<1x128x128xf32, #tpu.memory_space<vmem>> -> memref<128x128xf32, #tpu.memory_space<vmem>>
        %dma_wait3A_369 = arith.constant 0 : i32
        %dma_wait3A_370 = arith.constant 0 : i32
        %dma_wait3A_371 = arith.constant 0 : i32
        %dma_wait3A_372 = tpu.memref_slice %arg5[%rem3A_48, %dma_wait3A_369, %dma_wait3A_370, %dma_wait3A_371] : memref<2x10x1x128xi32, #tpu.memory_space<vmem>> -> memref<1x10x1x128xi32, #tpu.memory_space<vmem>>
        %dma_wait3A_373 = tpu.memref_squeeze %dma_wait3A_372 : memref<1x10x1x128xi32, #tpu.memory_space<vmem>> -> memref<10x1x128xi32, #tpu.memory_space<vmem>>
        %dma_wait3A_374 = arith.constant 0 : i32
        %dma_wait3A_375 = tpu.memref_slice %dma_wait3A_373[%dma_wait3A_363, %dma_wait3A_364, %dma_wait3A_374] : memref<10x1x128xi32, #tpu.memory_space<vmem>> -> memref<1x1x128xi32, #tpu.memory_space<vmem>>
        %dma_wait3A_376 = tpu.memref_squeeze %dma_wait3A_375 : memref<1x1x128xi32, #tpu.memory_space<vmem>> -> memref<128xi32, #tpu.memory_space<vmem>>
        %dma_wait3A_377 = arith.constant 0 : i32
        %dma_wait3A_378 = arith.constant 0 : i32
        %dma_wait3A_379 = tpu.memref_slice %arg7[%dma_wait3A_377, %dma_wait3A_378] : memref<5000x128xf32, #tpu.memory_space<vmem_shared>> -> memref<5000x128xf32, #tpu.memory_space<vmem_shared>>
        tpu.wait_indirect_dma semaphore(%arg8 : memref<!tpu.dma_semaphore, #tpu.memory_space<semaphore_mem>>) src(%dma_wait3A_379 : memref<5000x128xf32, #tpu.memory_space<vmem_shared>>) dst(%dma_wait3A_368 : memref<128x128xf32, #tpu.memory_space<vmem>>)
        %dma_wait3A_380 = arith.constant 7 : i32
        %dma_wait3A_381 = arith.constant 0 : i32
        %dma_wait3A_382 = arith.constant 0 : i32
        %dma_wait3A_383 = arith.constant 0 : i32
        %dma_wait3A_384 = tpu.memref_slice %arg6[%rem3A_48, %dma_wait3A_382, %dma_wait3A_383] : memref<2x128x128xf32, #tpu.memory_space<vmem>> -> memref<1x128x128xf32, #tpu.memory_space<vmem>>
        %dma_wait3A_385 = tpu.memref_squeeze %dma_wait3A_384 : memref<1x128x128xf32, #tpu.memory_space<vmem>> -> memref<128x128xf32, #tpu.memory_space<vmem>>
        %dma_wait3A_386 = arith.constant 0 : i32
        %dma_wait3A_387 = arith.constant 0 : i32
        %dma_wait3A_388 = arith.constant 0 : i32
        %dma_wait3A_389 = tpu.memref_slice %arg5[%rem3A_48, %dma_wait3A_386, %dma_wait3A_387, %dma_wait3A_388] : memref<2x10x1x128xi32, #tpu.memory_space<vmem>> -> memref<1x10x1x128xi32, #tpu.memory_space<vmem>>
        %dma_wait3A_390 = tpu.memref_squeeze %dma_wait3A_389 : memref<1x10x1x128xi32, #tpu.memory_space<vmem>> -> memref<10x1x128xi32, #tpu.memory_space<vmem>>
        %dma_wait3A_391 = arith.constant 0 : i32
        %dma_wait3A_392 = tpu.memref_slice %dma_wait3A_390[%dma_wait3A_380, %dma_wait3A_381, %dma_wait3A_391] : memref<10x1x128xi32, #tpu.memory_space<vmem>> -> memref<1x1x128xi32, #tpu.memory_space<vmem>>
        %dma_wait3A_393 = tpu.memref_squeeze %dma_wait3A_392 : memref<1x1x128xi32, #tpu.memory_space<vmem>> -> memref<128xi32, #tpu.memory_space<vmem>>
        %dma_wait3A_394 = arith.constant 0 : i32
        %dma_wait3A_395 = arith.constant 0 : i32
        %dma_wait3A_396 = tpu.memref_slice %arg7[%dma_wait3A_394, %dma_wait3A_395] : memref<5000x128xf32, #tpu.memory_space<vmem_shared>> -> memref<5000x128xf32, #tpu.memory_space<vmem_shared>>
        tpu.wait_indirect_dma semaphore(%arg8 : memref<!tpu.dma_semaphore, #tpu.memory_space<semaphore_mem>>) src(%dma_wait3A_396 : memref<5000x128xf32, #tpu.memory_space<vmem_shared>>) dst(%dma_wait3A_385 : memref<128x128xf32, #tpu.memory_space<vmem>>)
        %dma_wait3A_397 = arith.constant 8 : i32
        %dma_wait3A_398 = arith.constant 0 : i32
        %dma_wait3A_399 = arith.constant 0 : i32
        %dma_wait3A_400 = arith.constant 0 : i32
        %dma_wait3A_401 = tpu.memref_slice %arg6[%rem3A_48, %dma_wait3A_399, %dma_wait3A_400] : memref<2x128x128xf32, #tpu.memory_space<vmem>> -> memref<1x128x128xf32, #tpu.memory_space<vmem>>
        %dma_wait3A_402 = tpu.memref_squeeze %dma_wait3A_401 : memref<1x128x128xf32, #tpu.memory_space<vmem>> -> memref<128x128xf32, #tpu.memory_space<vmem>>
        %dma_wait3A_403 = arith.constant 0 : i32
        %dma_wait3A_404 = arith.constant 0 : i32
        %dma_wait3A_405 = arith.constant 0 : i32
        %dma_wait3A_406 = tpu.memref_slice %arg5[%rem3A_48, %dma_wait3A_403, %dma_wait3A_404, %dma_wait3A_405] : memref<2x10x1x128xi32, #tpu.memory_space<vmem>> -> memref<1x10x1x128xi32, #tpu.memory_space<vmem>>
        %dma_wait3A_407 = tpu.memref_squeeze %dma_wait3A_406 : memref<1x10x1x128xi32, #tpu.memory_space<vmem>> -> memref<10x1x128xi32, #tpu.memory_space<vmem>>
        %dma_wait3A_408 = arith.constant 0 : i32
        %dma_wait3A_409 = tpu.memref_slice %dma_wait3A_407[%dma_wait3A_397, %dma_wait3A_398, %dma_wait3A_408] : memref<10x1x128xi32, #tpu.memory_space<vmem>> -> memref<1x1x128xi32, #tpu.memory_space<vmem>>
        %dma_wait3A_410 = tpu.memref_squeeze %dma_wait3A_409 : memref<1x1x128xi32, #tpu.memory_space<vmem>> -> memref<128xi32, #tpu.memory_space<vmem>>
        %dma_wait3A_411 = arith.constant 0 : i32
        %dma_wait3A_412 = arith.constant 0 : i32
        %dma_wait3A_413 = tpu.memref_slice %arg7[%dma_wait3A_411, %dma_wait3A_412] : memref<5000x128xf32, #tpu.memory_space<vmem_shared>> -> memref<5000x128xf32, #tpu.memory_space<vmem_shared>>
        tpu.wait_indirect_dma semaphore(%arg8 : memref<!tpu.dma_semaphore, #tpu.memory_space<semaphore_mem>>) src(%dma_wait3A_413 : memref<5000x128xf32, #tpu.memory_space<vmem_shared>>) dst(%dma_wait3A_402 : memref<128x128xf32, #tpu.memory_space<vmem>>)
        %dma_wait3A_414 = arith.constant 9 : i32
        %dma_wait3A_415 = arith.constant 0 : i32
        %dma_wait3A_416 = arith.constant 0 : i32
        %dma_wait3A_417 = arith.constant 0 : i32
        %dma_wait3A_418 = tpu.memref_slice %arg6[%rem3A_48, %dma_wait3A_416, %dma_wait3A_417] : memref<2x128x128xf32, #tpu.memory_space<vmem>> -> memref<1x128x128xf32, #tpu.memory_space<vmem>>
        %dma_wait3A_419 = tpu.memref_squeeze %dma_wait3A_418 : memref<1x128x128xf32, #tpu.memory_space<vmem>> -> memref<128x128xf32, #tpu.memory_space<vmem>>
        %dma_wait3A_420 = arith.constant 0 : i32
        %dma_wait3A_421 = arith.constant 0 : i32
        %dma_wait3A_422 = arith.constant 0 : i32
        %dma_wait3A_423 = tpu.memref_slice %arg5[%rem3A_48, %dma_wait3A_420, %dma_wait3A_421, %dma_wait3A_422] : memref<2x10x1x128xi32, #tpu.memory_space<vmem>> -> memref<1x10x1x128xi32, #tpu.memory_space<vmem>>
        %dma_wait3A_424 = tpu.memref_squeeze %dma_wait3A_423 : memref<1x10x1x128xi32, #tpu.memory_space<vmem>> -> memref<10x1x128xi32, #tpu.memory_space<vmem>>
        %dma_wait3A_425 = arith.constant 0 : i32
        %dma_wait3A_426 = tpu.memref_slice %dma_wait3A_424[%dma_wait3A_414, %dma_wait3A_415, %dma_wait3A_425] : memref<10x1x128xi32, #tpu.memory_space<vmem>> -> memref<1x1x128xi32, #tpu.memory_space<vmem>>
        %dma_wait3A_427 = tpu.memref_squeeze %dma_wait3A_426 : memref<1x1x128xi32, #tpu.memory_space<vmem>> -> memref<128xi32, #tpu.memory_space<vmem>>
        %dma_wait3A_428 = arith.constant 0 : i32
        %dma_wait3A_429 = arith.constant 0 : i32
        %dma_wait3A_430 = tpu.memref_slice %arg7[%dma_wait3A_428, %dma_wait3A_429] : memref<5000x128xf32, #tpu.memory_space<vmem_shared>> -> memref<5000x128xf32, #tpu.memory_space<vmem_shared>>
        tpu.wait_indirect_dma semaphore(%arg8 : memref<!tpu.dma_semaphore, #tpu.memory_space<semaphore_mem>>) src(%dma_wait3A_430 : memref<5000x128xf32, #tpu.memory_space<vmem_shared>>) dst(%dma_wait3A_419 : memref<128x128xf32, #tpu.memory_space<vmem>>)
        %dma_start3A_431 = arith.constant 0 : i32
        %dma_start3A_432 = arith.constant 0 : i32
        %dma_start3A_433 = tpu.memref_slice %arg6[%rem3A_48, %dma_start3A_431, %dma_start3A_432] : memref<2x128x128xf32, #tpu.memory_space<vmem>> -> memref<1x128x128xf32, #tpu.memory_space<vmem>>
        %dma_start3A_434 = tpu.memref_squeeze %dma_start3A_433 : memref<1x128x128xf32, #tpu.memory_space<vmem>> -> memref<128x128xf32, #tpu.memory_space<vmem>>
        %dma_start3A_435 = arith.constant 0 : i32
        %dma_start3A_436 = tpu.memref_slice %arg4[%min3A_54, %dma_start3A_435] : memref<100000x128xf32, #tpu.memory_space<hbm>> -> memref<128x128xf32, #tpu.memory_space<hbm>>
        %dma_start3A_437 = arith.constant 0 : i32
        %dma_start3A_438 = tpu.memref_slice %arg4[%min3A_54, %dma_start3A_437] : memref<100000x128xf32, #tpu.memory_space<hbm>> -> memref<128x128xf32, #tpu.memory_space<hbm>>
        %dma_start3A_439 = arith.constant 0 : i32
        %dma_start3A_440 = arith.constant 0 : i32
        %dma_start3A_441 = tpu.memref_slice %arg6[%rem3A_48, %dma_start3A_439, %dma_start3A_440] : memref<2x128x128xf32, #tpu.memory_space<vmem>> -> memref<1x128x128xf32, #tpu.memory_space<vmem>>
        %dma_start3A_442 = tpu.memref_squeeze %dma_start3A_441 : memref<1x128x128xf32, #tpu.memory_space<vmem>> -> memref<128x128xf32, #tpu.memory_space<vmem>>
        tpu.enqueue_dma source(%dma_start3A_442 : memref<128x128xf32, #tpu.memory_space<vmem>>) target(%dma_start3A_438 : memref<128x128xf32, #tpu.memory_space<hbm>>) target_semaphore(%arg10 : memref<!tpu.dma_semaphore, #tpu.memory_space<semaphore_mem>>)
      } else {
      }
    }
    %scan3A_28 = arith.constant 25 : i32
    %dma_wait3A = arith.constant 0 : i32
    %dma_wait3A_29 = arith.constant 0 : i32
    %dma_wait3A_30 = arith.constant 0 : i32
    %dma_wait3A_31 = tpu.memref_slice %arg6[%dma_wait3A, %dma_wait3A_29, %dma_wait3A_30] : memref<2x128x128xf32, #tpu.memory_space<vmem>> -> memref<1x128x128xf32, #tpu.memory_space<vmem>>
    %dma_wait3A_32 = tpu.memref_squeeze %dma_wait3A_31 : memref<1x128x128xf32, #tpu.memory_space<vmem>> -> memref<128x128xf32, #tpu.memory_space<vmem>>
    %dma_wait3A_33 = arith.constant 0 : i32
    %dma_wait3A_34 = arith.constant 0 : i32
    %dma_wait3A_35 = tpu.memref_slice %arg4[%dma_wait3A_33, %dma_wait3A_34] : memref<100000x128xf32, #tpu.memory_space<hbm>> -> memref<128x128xf32, #tpu.memory_space<hbm>>
    %dma_wait3A_36 = arith.constant 0 : i32
    %dma_wait3A_37 = arith.constant 0 : i32
    %dma_wait3A_38 = tpu.memref_slice %arg4[%dma_wait3A_36, %dma_wait3A_37] : memref<100000x128xf32, #tpu.memory_space<hbm>> -> memref<128x128xf32, #tpu.memory_space<hbm>>
    %dma_wait3A_39 = arith.constant 0 : i32
    %dma_wait3A_40 = arith.constant 0 : i32
    %dma_wait3A_41 = tpu.memref_slice %arg6[%dma_wait3A, %dma_wait3A_39, %dma_wait3A_40] : memref<2x128x128xf32, #tpu.memory_space<vmem>> -> memref<1x128x128xf32, #tpu.memory_space<vmem>>
    %dma_wait3A_42 = tpu.memref_squeeze %dma_wait3A_41 : memref<1x128x128xf32, #tpu.memory_space<vmem>> -> memref<128x128xf32, #tpu.memory_space<vmem>>
    tpu.wait_dma2 semaphore(%arg10 : memref<!tpu.dma_semaphore, #tpu.memory_space<semaphore_mem>>) src(%dma_wait3A_42 : memref<128x128xf32, #tpu.memory_space<vmem>>) dst(%dma_wait3A_38 : memref<128x128xf32, #tpu.memory_space<hbm>>)
    %lt3A = arith.constant 14 : i32
    %lt3A_43 = arith.cmpi slt, %add3A, %lt3A : i32
    %convert_element_type3A_44 = arith.extui %lt3A_43 : i1 to i32
    %cond3A_45 = arith.constant 0 : i32
    %cond3A_46 = arith.cmpi ne, %convert_element_type3A_44, %cond3A_45 : i32
    scf.if %cond3A_46 {
      %dma_wait3A_47 = arith.constant 0 : i32
      %dma_wait3A_48 = arith.constant 0 : i32
      %dma_wait3A_49 = arith.constant 0 : i32
      %dma_wait3A_50 = tpu.memref_slice %arg6[%dma_wait3A_47, %dma_wait3A_48, %dma_wait3A_49] : memref<2x128x128xf32, #tpu.memory_space<vmem>> -> memref<1x128x128xf32, #tpu.memory_space<vmem>>
      %dma_wait3A_51 = tpu.memref_squeeze %dma_wait3A_50 : memref<1x128x128xf32, #tpu.memory_space<vmem>> -> memref<128x128xf32, #tpu.memory_space<vmem>>
      %dma_wait3A_52 = arith.constant 0 : i32
      %dma_wait3A_53 = arith.constant 0 : i32
      %dma_wait3A_54 = tpu.memref_slice %arg4[%dma_wait3A_52, %dma_wait3A_53] : memref<100000x128xf32, #tpu.memory_space<hbm>> -> memref<128x128xf32, #tpu.memory_space<hbm>>
      %dma_wait3A_55 = arith.constant 0 : i32
      %dma_wait3A_56 = arith.constant 0 : i32
      %dma_wait3A_57 = tpu.memref_slice %arg4[%dma_wait3A_55, %dma_wait3A_56] : memref<100000x128xf32, #tpu.memory_space<hbm>> -> memref<128x128xf32, #tpu.memory_space<hbm>>
      %dma_wait3A_58 = arith.constant 0 : i32
      %dma_wait3A_59 = arith.constant 0 : i32
      %dma_wait3A_60 = tpu.memref_slice %arg6[%dma_wait3A_47, %dma_wait3A_58, %dma_wait3A_59] : memref<2x128x128xf32, #tpu.memory_space<vmem>> -> memref<1x128x128xf32, #tpu.memory_space<vmem>>
      %dma_wait3A_61 = tpu.memref_squeeze %dma_wait3A_60 : memref<1x128x128xf32, #tpu.memory_space<vmem>> -> memref<128x128xf32, #tpu.memory_space<vmem>>
      tpu.wait_dma2 semaphore(%arg10 : memref<!tpu.dma_semaphore, #tpu.memory_space<semaphore_mem>>) src(%dma_wait3A_61 : memref<128x128xf32, #tpu.memory_space<vmem>>) dst(%dma_wait3A_57 : memref<128x128xf32, #tpu.memory_space<hbm>>)
    } else {
    }
    return
  }
}

</mosaic_0001>

<sc_bundles>
// kernel: kernel.3.cloned.1.call-start
scs
__scs_entry_jumppad:
0x0: {  	(pc) =	sbr.rel $0x88, $3  }
0x1: {  	(tag) =	ssettag $0x0;
	lr =	simm.s32 $0x1  }
0x2: {  	[smem:$0x3F96] =	sst lr;
	_ =	strace $0xD0000000  }
0x3: {  	_ = 	snop  }
0x4: {  	_ = 	snop  }
0x5: {  	_ = 	snop  }
0x6: {  	_ = 	snop  }
0x7: {  	_ = 	snop  }
__scs_overlays_trampoline_lowered:
0x8: {  	[smem:$0x3FA5] =	sst s0  }
0x9: {  	[smem:$0x3FA6] =	sst s1  }
0xa: {  	[smem:$0x3FA7] =	sst s2  }
0xb: {  	[smem:$0x3FA8] =	sst s3  }
0xc: {  	[smem:$0x3FA9] =	sst s4  }
0xd: {  	[smem:$0x3FAA] =	sst s5  }
0xe: {  	[smem:$0x3FAB] =	sst s6  }
0xf: {  	[smem:$0x3FAC] =	sst s7  }
0x10: {  	[smem:$0x3FAD] =	sst s8  }
0x11: {  	[smem:$0x3FAE] =	sst s9;
	s0 =	simm.s32 @!p0 $0x0  }
0x12: {  	s1 =	sld [smem:$0x3F94];
	s0 =	simm.s32 @p0 $0x1  }
0x13: {  	[smem:$0x3FAF] =	sst s0;
	s0 =	simm.s32 @!p1 $0x0  }
0x14: {  	s2 =	sld [smem:$0x3F93];
	s0 =	simm.s32 @p1 $0x1  }
0x15: {  	[smem:$0x3FB0] =	sst s0;
	s0 =	simm.s32 @!p2 $0x0  }
0x16: {  	s3 =	sld [smem:$0x3FDB];
	s0 =	simm.s32 @p2 $0x1  }
0x17: {  	s4 =	simm.s32 $0x1BF5;
	[smem:$0x3FB2] =	sst s0  }
0x18: {  	s0 =	sld [smem:$0x3F95];
	_ =	swait.ge [sflag:s4], $0x0  }
0x19: {  	s7 =	sld [smem:$0x3F96]  }
0x1a: {  	s8 =	sadd.s32 $0xFFFFE003, lr  }
0x1b: {  	s9 =	sadd.s32 $0xFFFFFEF7, lr;
	s5 =	simm.s32 $0xFFFFFFFF;
	p2 =	slt.u32 s8, $0xFFFFF086  }
0x1c: {  	p1 =	slt.u32 s9, $0xF7A;
	s5 =	simm.s32 @!p2 $0x0  }
0x1d: {  	s5 =	simm.s32 @p1 $0x1;
	p0 =	seq.s32 s7, s2  }
0x1e: {  	s7 =	smul.u32 @!p0 $0xF7A, s2;
	p2 =	seq.s32 @!p0 s5, $0x0  }
0x1f: {  	s9 =	smul.u32 $0xF7A, s1;
	s8 =	simm.s32 @!p0 $0x1BF5;
	p2 =	por !p2, p0  }
0x20: {  	[sflag:s8] =	ssyncset.s32 @!p0 $0xFFFFF086;
	s6 =	sadd.s32 @!p0 s3, s7;
	s7 =	simm.s32 @!p0 $0x108  }
0x21: {  	s3 =	sadd.s32 s3, s9;
	s6 =	sadd.s32 @!p0 $0x88, s6;
	s7 =	simm.s32 @p2 $0x1082  }
0x22: {  	[simem:s7], [sflag:s8] =	dma.local @!p0 [hbm:s6], $0xF7A  }
0x23: {  	s9 =	sor.u32 $0xD0000000, s2;
	s6 =	simm.s32 $0x108;
	_ =	swait.ge @!p0 [sflag:s8], $0x0  }
0x24: {  	s3 =	sadd.s32 $0x88, s3;
	s6 =	simm.s32 @!p1 $0x1082;
	[sflag:s4] =	ssyncset.s32 $0xFFFFF086  }
0x25: {  	[simem:s6], [sflag:s4] =	dma.local [hbm:s3], $0xF7A  }
0x26: {  	[smem:$0x3F96] =	sst s1;
	(tag) =	ssettag s2;
	_ =	strace s9  }
0x27: {  	s1 =	sld [smem:$0x3FA6]  }
0x28: {  	s2 =	sld [smem:$0x3FA7]  }
0x29: {  	s4 =	sld [smem:$0x3FA9]  }
0x2a: {  	p0 =	seq.s32 s5, $0x0;
	s5 =	sld [smem:$0x3FAA]  }
0x2b: {  	s6 =	sld [smem:$0x3FAB]  }
0x2c: {  	s7 =	sld [smem:$0x3FAC]  }
0x2d: {  	s3 =	simm.s32 $0x108;
	s8 =	sld [smem:$0x3FAD]  }
0x2e: {  	s3 =	simm.s32 @!p0 $0x1082;
	s9 =	sld [smem:$0x3FAE]  }
0x2f: {  	lr =	sadd.s32 s0, s3;
	s0 =	sld [smem:$0x3FA5]  }
0x30: {  	s3 =	sld [smem:$0x3FA8]  }
0x31: {  	[smem:$0x3FB1] =	sst s10  }
0x32: {  	s10 =	sld [smem:$0x3FAF];
	_ =	sdelay $0x3  }
0x33: {  	p0 =	seq.s32 s10, $0x1;
	s10 =	sld [smem:$0x3FB1];
	_ =	sdelay $0x3  }
0x34: {  	[smem:$0x3FB1] =	sst s10  }
0x35: {  	s10 =	sld [smem:$0x3FB0];
	_ =	sdelay $0x3  }
0x36: {  	p1 =	seq.s32 s10, $0x1;
	s10 =	sld [smem:$0x3FB1];
	_ =	sdelay $0x3  }
0x37: {  	[smem:$0x3FB1] =	sst s10  }
0x38: {  	s10 =	sld [smem:$0x3FB2]  }
0x39: {  	_ = 	snop;
	(pc) =	sbr.ind lr, $3  }
0x3a: {  	_ = 	snop  }
0x3b: {  	_ = 	snop  }
0x3c: {  	p2 =	seq.s32 s10, $0x1;
	s10 =	sld [smem:$0x3FB1]  }
0x3d: {  	_ =	shalt  }
0x3e: {  	_ =	shalt  }
0x3f: {  	_ =	shalt  }
0x40: {  	_ =	shalt  }
0x41: {  	_ =	shalt  }
0x42: {  	_ =	shalt  }
0x43: {  	_ =	shalt  }
0x44: {  	_ =	shalt  }
0x45: {  	_ =	shalt  }
0x46: {  	_ =	shalt  }
0x47: {  	_ =	shalt  }
0x48: {  	_ =	shalt  }
0x49: {  	_ =	shalt  }
0x4a: {  	_ =	shalt  }
0x4b: {  	_ =	shalt  }
0x4c: {  	_ =	shalt  }
0x4d: {  	_ =	shalt  }
0x4e: {  	_ =	shalt  }
0x4f: {  	_ =	shalt  }
0x50: {  	_ =	shalt  }
0x51: {  	_ =	shalt  }
0x52: {  	_ =	shalt  }
0x53: {  	_ =	shalt  }
0x54: {  	_ =	shalt  }
0x55: {  	_ =	shalt  }
0x56: {  	_ =	shalt  }
0x57: {  	_ =	shalt  }
0x58: {  	_ =	shalt  }
0x59: {  	_ =	shalt  }
0x5a: {  	_ =	shalt  }
0x5b: {  	_ =	shalt  }
0x5c: {  	_ =	shalt  }
0x5d: {  	_ =	shalt  }
0x5e: {  	_ =	shalt  }
0x5f: {  	_ =	shalt  }
0x60: {  	_ =	shalt  }
0x61: {  	_ =	shalt  }
0x62: {  	_ =	shalt  }
0x63: {  	_ =	shalt  }
0x64: {  	_ =	shalt  }
0x65: {  	_ =	shalt  }
0x66: {  	_ =	shalt  }
0x67: {  	_ =	shalt  }
0x68: {  	_ =	shalt  }
0x69: {  	_ =	shalt  }
0x6a: {  	_ =	shalt  }
0x6b: {  	_ =	shalt  }
0x6c: {  	_ =	shalt  }
0x6d: {  	_ =	shalt  }
0x6e: {  	_ =	shalt  }
0x6f: {  	_ =	shalt  }
0x70: {  	_ =	shalt  }
0x71: {  	_ =	shalt  }
0x72: {  	_ =	shalt  }
0x73: {  	_ =	shalt  }
0x74: {  	_ =	shalt  }
0x75: {  	_ =	shalt  }
0x76: {  	_ =	shalt  }
0x77: {  	_ =	shalt  }
0x78: {  	_ =	shalt  }
0x79: {  	_ =	shalt  }
0x7a: {  	_ =	shalt  }
0x7b: {  	_ =	shalt  }
0x7c: {  	_ =	shalt  }
0x7d: {  	_ =	shalt  }
0x7e: {  	_ =	shalt  }
0x7f: {  	_ =	shalt  }
0x80: {  	_ =	shalt  }
0x81: {  	_ =	shalt  }
0x82: {  	_ =	shalt  }
0x83: {  	_ =	shalt  }
0x84: {  	_ =	shalt  }
0x85: {  	_ =	shalt  }
0x86: {  	_ =	shalt  }
0x87: {  	_ =	shalt  }
.Lfunc_end0:
.L_simem_size_0:
called_computation_lowered:
.L_overlay_start_0:
0x88: {  	s2 =	sld [smem:$0x3FD9]  }
0x89: {  	s3 =	sld [smem:$0x3FFE];
	_ =	sdelay $0x1  }
0x8a: {  	s1 =	srdreg.scid  }
0x8b: {  	s0 =	sand.u32 $0x1, s1  }
0x8c: {  	s17 =	sshll.u32 s0, $0xA;
	s2 =	sadd.s32 s3, s2  }
0x8d: {  	s2 =	sadd.s32 s2, s17  }
0x8e: {  	[smem:$0x3FBD] =	sst s2  }
0x8f: {  	_ = 	snop  }
0x90: {  	s2 =	sld [smem:$0x3FD0];
	(tm) =	ssettm $0x1  }
0x91: {  	s18 =	sld [smem:$0x3FFB];
	_ =	sdelay $0x3  }
0x92: {  	_ =	strace s18  }
0x93: {  	s3 =	sld [smem:$0x3FFC];
	_ =	sdelay $0x3  }
0x94: {  	_ =	strace s3  }
0x95: {  	s3 =	sld [smem:$0x3FFD];
	_ =	sdelay $0x3  }
0x96: {  	_ =	strace s3  }
0x97: {  	_ =	strace $0x8FFFFFFF  }
0x98: {  	s19 =	sld [smem:$0x3FDB];
	_ =	sdelay $0x1  }
0x99: {  	s4 =	simm.s32 $_scs_section_size  }
0x9a: {  	s5 =	simm.s32 $_size__tile_overlayer_lowered;
	s6 =	simm.s32 $_tile_overlayer_lowered  }
0x9b: {  	s22 =	simm.s32 $0x1BFF;
	s21 =	sshll.u32 s6, $0x1;
	s3 =	sadd.s32 s4, s19  }
0x9c: {  	s7 =	simm.s32 $0x0;
	s20 =	sshll.u32 s5, $0x1;
	s5 =	sadd.s32 s21, s3  }
0x9d: {  	[timem:s7], [sflag:s22] =	dma.local [hbm:s5], s20  }
0x9e: {  	_ =	swait.ge [sflag:s22], s20  }
0x9f: {  	s4 =	ssub.s32 $0x0, s20;
	[sflag:s22] =	ssyncset.done $0x0  }
0xa0: {  	[sflag:s22] =	ssyncadd.s32 s4;
	_ =	sdelay $0x1  }
0xa1: {  	s23 =	simm.s32 $0x1B8B  }
0xa2: {  	_ =	swait.ge [sflag:s23], $0x1  }
0xa3: {  	[sflag:s23] =	ssyncset.done $0x0  }
0xa4: {  	s25 =	simm.s32 $0x1B8E;
	s24 =	sld [smem:$0x3FFE];
	[sflag:s23] =	ssyncadd.s32 $0xFFFFFFFF  }
0xa5: {  	s26 =	simm.s32 $execute0_lowered;
	[smem:$0x3FD2] =	sst s25  }
0xa6: {  	s5 =	sshll.u32 s26, $0x1;
	_ =	strace $0x80000046;
	[dreg:$0x1] =	wrdreg $0xFFFFFFFF  }
0xa7: {  	s28 =	simm.s32 $_size_execute0_lowered;
	s3 =	sadd.s32 s3, s5;
	[dreg:$0x0] =	wrdreg $0x0  }
0xa8: {  	s5 =	sshll.u32 s28, $0x1;
	[dreg:$0x2] =	wrdreg s3  }
0xa9: {  	[dreg:$0x3] =	wrdreg s5  }
0xaa: {  	[dreg:$0x4] =	wrdreg $0xC0  }
0xab: {  	_ =	task [dreg:s7], $0x5FFFF  }
0xac: {  	[dreg:$0x1] =	wrdreg $0xFFFFFFFF  }
0xad: {  	[dreg:$0x0] =	wrdreg $0x60  }
0xae: {  	[dreg:$0x2] =	wrdreg s24  }
0xaf: {  	[dreg:$0x3] =	wrdreg s2  }
0xb0: {  	[dreg:$0x4] =	wrdreg $0x8A000  }
0xb1: {  	[dreg:$0x5] =	wrdreg $0x9  }
0xb2: {  	_ =	task.clear_ibuf [dreg:s7], $0x6FFFF;
	_ =	strace $0x90000046  }
0xb3: {  	s29 =	simm.s32 $0x9;
	_ =	strace $0x80000048  }
0xb4: {  	_ =	swait.ge [sflag:s29], $0x1  }
0xb5: {  	[sflag:s29] =	ssyncadd.s32 $0xFFFFFFFF  }
0xb6: {  	_ =	strace $0x90000048  }
0xb7: {  	_ =	sfence  }
0xb8: {  	s30 =	sld [smem:$0x0];
	_ =	sdelay $0x2  }
0xb9: {  	s31 =	sshll.u32 s1, $0xD;
	s1 =	sshrl.u32 s1, $0x2  }
0xba: {  	s3 =	sand.u32 $0x4000, s31;
	s1 =	sadd.s32 s1, s30  }
0xbb: {  	s0 =	sor.u32 s3, s0;
	s1 =	sshll.u32 s1, $0x11  }
0xbc: {  	s0 =	sor.u32 s1, s0  }
0xbd: {  	s0 =	sadd.s32 $0x8F2B, s0  }
0xbe: {  	[sflag:s0] =	ssyncadd.remote.s32 $0x1  }
0xbf: {  	_ =	sfence.sel $0xFFFF  }
0xc0: {  	[dreg:$0x0] =	wrdreg $0xFFFFFFFF;
	(pc) =	sbr.abs _section_cstart, $3  }
0xc1: {  	[dreg:$0x1] =	wrdreg $0xFFFFFFFF  }
0xc2: {  	_ =	task.clear_ibuf [dreg:s7], $0x2FFFF;
	_ =	strace $0x9FFFFFFF  }
0xc3: {  	(tm) =	ssettm $0x7FFFFFFF  }
tec
execute0_lowered:
.L_overlay_start_1:
0x0: {  	(tag) =	ssettag $0x1  }
0x1: {  	s6 =	rddreg [dreg:$0x0];
	s0 =	srdreg.scid  }
0x2: {  	s14 =	stileid.u32;
	s1 =	rddreg [dreg:$0x1]  }
0x3: {  	s2 =	rddreg [dreg:$0x2];
	s4 =	simm.s32 $0x0;
	s13 =	simm.s32 $0x3  }
0x4: {  	s10 =	sand.u32 $0x1, s0;
	s30 =	sshll.u32 s14, $0x1;
	s0 =	rddreg [dreg:$0x3]  }
0x5: {  	[smem:$0x7FF] =	sst s4;
	s8 =	smul.u32 $0xA00, s14;
	s5 =	sadd.s32 $0x1E00, s6  }
0x6: {  	s6 =	sadd.s32 $0x21200, s6;
	s31 =	sshll.u32 s14, $0x8;
	p0 =	sne.s32 s14, $0x0  }
0x7: {  	p1 =	sgt.u32 s14, $0x6;
	s14 =	simm.s32 $0x0;
	s3 =	sor.u32 s10, s30  }
0x8: {  	_ =	strace $0x80000047;
	s9 =	ssub.s32 $0x2, s10;
	s11 =	smul.u32 $0x500, s10  }
0x9: {  	s10 =	sshll.u32 s10, $0x7;
	s7 =	smul.u32 $0x500, s3;
	s12 =	sshrl.u32 s9, $0x1  }
0xa: {  	s10 =	sor.u32 s10, s31;
	s9 =	ssub.s32 s9, s12;
	s11 =	sadd.s32 s11, s8  }
0xb: {  	s12 =	simm.s32 $0x2;
	s7 =	sshrl.u32 s7, $0x3;
	s8 =	smax.u32 s9, $0x1  }
0xc: {  	s9 =	sadd.s32 $0xA000, s11;
	s11 =	sshrl.u32 @!p0 s2, $0x3;
	s7 =	sadd.s32 s5, s7  }
.LBB2_1:
0xd: {  	s15 =	simm.s32 @!p0 $0x1C04  }
0xe: {  	[spmem:s11], [sflag:s15] =	dma.local @!p0 [hbm:s6], $0x13880  }
0xf: {  	s15 =	simm.s32 @!p0 $0x4  }
0x10: {  	_ =	swait.ge @!p0 [sflag:s15], $0x13880  }
0x11: {  	[sflag:s15] =	ssyncset.done @!p0 $0x0  }
0x12: {  	s16 =	smov.u32 s3;
	s17 =	smov.u32 s9;
	[sflag:s15] =	ssyncadd.s32 @!p0 $0xFFFEC780  }
0x13: {  	s18 =	simm.s32 $0x0;
	s15 =	smov.u32 s10;
	[bflag:$0x0] =	sbarrier.arrive $0xFFFF  }
0x14: {  	[tilespmem:s4], [sflag:$0x2] =	stream.linear.gather [hbm4b:s7+s4], $0x500, $0x38;
	[tilespmem:$0x12640] =	vst v63  }
.LBB2_2:
0x15: {  	s19 =	sand.u32 $0x1, s18;
	p2 =	seq.s32 s18, $0x18  }
0x16: {  	_ =	swait.ge [sflag:s12], $0x500;
	s20 =	sxor.u32 @!p2 $0x1, s19  }
0x17: {  	[sflag:s12] =	ssyncset.done $0x0;
	s20 =	smul.u32 @!p2 $0x1400, s20  }
0x18: {  	s21 =	sshrl.u32 @!p2 s17, $0x3;
	s22 =	simm.s32 @!p2 $0x0;
	p3 =	slt.u32 @!p2 s18, $0x2  }
0x19: {  	[sflag:s12] =	ssyncadd.s32 $0xFFFFFB00;
	s21 =	sadd.s32 @!p2 s5, s21;
	s20 =	sshrl.u32 @!p2 s20, $0x2  }
0x1a: {  	[tilespmem:s20], [sflag:$0x2] =	stream.linear.gather @!p2 [hbm4b:s21+s22], $0x500, $0x38;
	[tilespmem:$0x12640] =	vst v63  }
0x1b: {  	p2 =	por p2, !p3  }
0x1c: {  	_ =	swait.ge @p2 [sflag:s13], $0x4000  }
0x1d: {  	s31 =	smul.u32 $0x1400, s19;
	[sflag:s13] =	ssyncset.done @p2 $0x0  }
0x1e: {  	[sflag:s13] =	ssyncadd.s32 @p2 $0xFFFFC000;
	p2 =	sgt.u32 s16, $0x30D  }
0x1f: {  	s20 =	sshrl.u32 s31, $0x2;
	s19 =	sshll.u32 @!p2 s19, $0xE  }
0x20: {  	s21 =	simm.s32 @!p2 $0x80;
	s22 =	simm.s32 @!p2 $0x1;
	s19 =	sor.u32 @!p2 $0xA00, s19  }
0x21: {  	[tilespmem:s19], [sflag:$0x1] =	stream.indirect.gather @!p2 [spmem:s2], $0x80, s20, s21, $0xb8;
	[tilespmem:$0x12640] =	vst v63  }
0x22: {  	_ =	swait.ge @!p2 [sflag:s22], $0x4000  }
0x23: {  	[sflag:s22] =	ssyncset.done @!p2 $0x0  }
0x24: {  	s23 =	sadd.s32 @!p2 $0x80, s20;
	[sflag:s22] =	ssyncadd.s32 @!p2 $0xFFFFC000  }
0x25: {  	[tilespmem:s19], [sflag:$0x1] =	stream.indirect.gather.add.f32 @!p2 [spmem:s2], $0x80, s23, s21, $0xb8;
	[tilespmem:$0x12640] =	vst v63  }
0x26: {  	s23 =	sadd.s32 @!p2 $0x100, s20  }
0x27: {  	[tilespmem:s19], [sflag:$0x1] =	stream.indirect.gather.add.f32 @!p2 [spmem:s2], $0x80, s23, s21, $0xb8;
	[tilespmem:$0x12640] =	vst v63  }
0x28: {  	s23 =	sadd.s32 @!p2 $0x180, s20  }
0x29: {  	[tilespmem:s19], [sflag:$0x1] =	stream.indirect.gather.add.f32 @!p2 [spmem:s2], $0x80, s23, s21, $0xb8;
	[tilespmem:$0x12640] =	vst v63  }
0x2a: {  	s23 =	sadd.s32 @!p2 $0x200, s20  }
0x2b: {  	[tilespmem:s19], [sflag:$0x1] =	stream.indirect.gather.add.f32 @!p2 [spmem:s2], $0x80, s23, s21, $0xb8;
	[tilespmem:$0x12640] =	vst v63  }
0x2c: {  	s23 =	sadd.s32 @!p2 $0x280, s20  }
0x2d: {  	[tilespmem:s19], [sflag:$0x1] =	stream.indirect.gather.add.f32 @!p2 [spmem:s2], $0x80, s23, s21, $0xb8;
	[tilespmem:$0x12640] =	vst v63  }
0x2e: {  	s23 =	sadd.s32 @!p2 $0x300, s20  }
0x2f: {  	[tilespmem:s19], [sflag:$0x1] =	stream.indirect.gather.add.f32 @!p2 [spmem:s2], $0x80, s23, s21, $0xb8;
	[tilespmem:$0x12640] =	vst v63  }
0x30: {  	s23 =	sadd.s32 @!p2 $0x380, s20  }
0x31: {  	[tilespmem:s19], [sflag:$0x1] =	stream.indirect.gather.add.f32 @!p2 [spmem:s2], $0x80, s23, s21, $0xb8;
	[tilespmem:$0x12640] =	vst v63  }
0x32: {  	s23 =	sadd.s32 @!p2 $0x400, s20  }
0x33: {  	[tilespmem:s19], [sflag:$0x1] =	stream.indirect.gather.add.f32 @!p2 [spmem:s2], $0x80, s23, s21, $0xb8;
	[tilespmem:$0x12640] =	vst v63  }
0x34: {  	s20 =	sadd.s32 @!p2 $0x480, s20  }
0x35: {  	[tilespmem:s19], [sflag:$0x1] =	stream.indirect.gather.add.f32 @!p2 [spmem:s2], $0x80, s20, s21, $0xb8;
	[tilespmem:$0x12640] =	vst v63  }
0x36: {  	_ =	swait.ge @!p2 [sflag:s22], $0x4000  }
0x37: {  	[sflag:s22] =	ssyncset.done @!p2 $0x0  }
0x38: {  	[sflag:s22] =	ssyncadd.s32 @!p2 $0xFFFFC000  }
0x39: {  	_ =	swait.ge @!p2 [sflag:s22], $0x4000  }
0x3a: {  	[sflag:s22] =	ssyncset.done @!p2 $0x0  }
0x3b: {  	[sflag:s22] =	ssyncadd.s32 @!p2 $0xFFFFC000  }
0x3c: {  	_ =	swait.ge @!p2 [sflag:s22], $0x4000  }
0x3d: {  	[sflag:s22] =	ssyncset.done @!p2 $0x0  }
0x3e: {  	[sflag:s22] =	ssyncadd.s32 @!p2 $0xFFFFC000  }
0x3f: {  	_ =	swait.ge @!p2 [sflag:s22], $0x4000  }
0x40: {  	[sflag:s22] =	ssyncset.done @!p2 $0x0  }
0x41: {  	[sflag:s22] =	ssyncadd.s32 @!p2 $0xFFFFC000  }
0x42: {  	_ =	swait.ge @!p2 [sflag:s22], $0x4000  }
0x43: {  	[sflag:s22] =	ssyncset.done @!p2 $0x0  }
0x44: {  	[sflag:s22] =	ssyncadd.s32 @!p2 $0xFFFFC000  }
0x45: {  	_ =	swait.ge @!p2 [sflag:s22], $0x4000  }
0x46: {  	[sflag:s22] =	ssyncset.done @!p2 $0x0  }
0x47: {  	[sflag:s22] =	ssyncadd.s32 @!p2 $0xFFFFC000  }
0x48: {  	_ =	swait.ge @!p2 [sflag:s22], $0x4000  }
0x49: {  	[sflag:s22] =	ssyncset.done @!p2 $0x0  }
0x4a: {  	[sflag:s22] =	ssyncadd.s32 @!p2 $0xFFFFC000  }
0x4b: {  	_ =	swait.ge @!p2 [sflag:s22], $0x4000  }
0x4c: {  	[sflag:s22] =	ssyncset.done @!p2 $0x0  }
0x4d: {  	p3 =	slt.s32 s15, $0x18620;
	s20 =	smov.u32 s15;
	[sflag:s22] =	ssyncadd.s32 @!p2 $0xFFFFC000  }
0x4e: {  	s20 =	simm.s32 @!p3 $0x18620;
	_ =	swait.ge @!p2 [sflag:s22], $0x4000  }
0x4f: {  	s18 =	sadd.s32 $0x1, s18;
	s20 =	sshll.u32 @!p2 s20, $0x4;
	[sflag:s22] =	ssyncset.done @!p2 $0x0  }
0x50: {  	s21 =	simm.s32 @!p2 $0x0;
	s20 =	sadd.s32 @!p2 s1, s20;
	[sflag:s22] =	ssyncadd.s32 @!p2 $0xFFFFC000  }
0x51: {  	[hbm4b:s20+s21] =	stream.linear.scatter @!p2 [tilespmem:s19], [sflag:$0x3], $0x4000, $0x38;
	[tilespmem:$0x12640] =	vst v63  }
0x52: {  	p2 =	sne.s32 s18, $0x19  }
.Ltmp0:
0x53: {  	_ = 	snop;
	(pc) =	sbr.rel @p2 .LBB2_2-.Ltmp0, $2  }
0x54: {  	_ =	sdelay $0x2  }
0x55: {  	s17 =	sadd.s32 $0xA000, s17;
	s16 =	sadd.s32 $0x20, s16;
	s15 =	sadd.s32 $0x1000, s15  }
0x56: {  	s14 =	sadd.s32 $0x1, s14  }
0x57: {  	_ =	swait.ge [sflag:s13], $0x4000;
	p2 =	sne.s32 s14, s8  }
.Ltmp1:
0x58: {  	[sflag:s13] =	ssyncset.done $0x0;
	(pc) =	sbr.rel @p2 .LBB2_1-.Ltmp1, $4  }
0x59: {  	s15 =	simm.s32 @!p1 $0x3;
	[sflag:s13] =	ssyncadd.s32 $0xFFFFC000  }
0x5a: {  	_ =	swait.ge @!p1 [sflag:s15], $0x4000  }
0x5b: {  	[sflag:s15] =	ssyncset.done @!p1 $0x0  }
0x5c: {  	[sflag:s15] =	ssyncadd.s32 @!p1 $0xFFFFC000  }
0x5d: {  	_ =	sfence.sel $0x180000  }
0x5e: {  	[bflag:$0x0] =	sbarrier.arrive $0xFFFF  }
0x5f: {  	_ =	strace $0x90000047  }
0x60: {  	s0 =	sadd.s32 @!p0 $0x100000, s0;
	[bflag:$0x2] =	sbarrier.arrive $0xFFFF  }
0x61: {  	[sflag:s0] =	ssyncadd.tile.s32 @!p0 $0x1;
	_ =	shalt  }
.Lfunc_end2:
_tile_overlayer_lowered:
.L_overlay_start_2:
0x62: {  	(tag) =	ssettag $0x2  }
0x63: {  	s0 =	rddreg [dreg:$0x0];
	s2 =	stileid.u32  }
0x64: {  	s1 =	rddreg [dreg:$0x1];
	p0 =	sne.s32 s2, $0x0  }
0x65: {  	s3 =	rddreg [dreg:$0x2];
	[bflag:$0x3] =	sbarrier.arrive $0xFFFF;
	s2 =	simm.s32 @!p0 $0x1C04  }
0x66: {  	[timem:s3], [sflag:s2] =	dma.local @!p0 [hbm:s0], s1  }
0x67: {  	s0 =	simm.s32 @!p0 $0x4  }
0x68: {  	_ =	swait.ge @!p0 [sflag:s0], s1  }
0x69: {  	s1 =	ssub.s32 @!p0 $0x0, s1;
	[sflag:s0] =	ssyncset.done @!p0 $0x0  }
0x6a: {  	[sflag:s0] =	ssyncadd.s32 @!p0 s1  }
0x6b: {  	[bflag:$0x3] =	sbarrier.arrive $0xFFFF  }
0x6c: {  	_ =	shalt  }

</sc_bundles>
